<compile_context>
chip_gen: v7x
topology: tpu7x:2x2x1
jax: 0.10.2.dev20260603
libtpu: 0.0.44.dev20260713+nightly
codegen_flags: <defaults>
</compile_context>

<pallas_src>
import functools
import jax
import jax.numpy as jnp
from jax import lax
from jax.experimental import pallas as pl
from jax.experimental.pallas import tpu as pltpu
from jax.experimental.pallas import tpu_sc as plsc

_F_PAD = 256
_N_PAD = 20480
_TILE = 2048
_HI = jax.lax.Precision.HIGHEST


def _rot6_cols(sl):
    a1 = sl[3:6]
    a2 = sl[6:9]
    n1 = jnp.maximum(jnp.sqrt(a1[0] * a1[0] + a1[1] * a1[1] + a1[2] * a1[2]), 1e-8)
    b1 = [a1[0] / n1, a1[1] / n1, a1[2] / n1]
    d = b1[0] * a2[0] + b1[1] * a2[1] + b1[2] * a2[2]
    c2 = [a2[0] - d * b1[0], a2[1] - d * b1[1], a2[2] - d * b1[2]]
    n2 = jnp.maximum(jnp.sqrt(c2[0] * c2[0] + c2[1] * c2[1] + c2[2] * c2[2]), 1e-8)
    b2 = [c2[0] / n2, c2[1] / n2, c2[2] / n2]
    b3 = [b1[1] * b2[2] - b1[2] * b2[1],
          b1[2] * b2[0] - b1[0] * b2[2],
          b1[0] * b2[1] - b1[1] * b2[0]]
    return [b1, b2, b3]


def _softmax_cols(x):
    m = jnp.max(x, axis=0, keepdims=True)
    e = jnp.exp(x - m)
    return e / jnp.sum(e, axis=0, keepdims=True)


def _prep_kernel(ts_ref, d1_ref, d0_ref, mc0t_ref, mallt_ref, p0t_ref):
    tsb = jnp.broadcast_to(ts_ref[:, :], (16, _F_PAD))
    fio = jax.lax.broadcasted_iota(jnp.int32, (16, _F_PAD), 1)
    oht = (tsb == fio).astype(jnp.float32)

    for c in range(9):
        mallt_ref[c * 16:(c + 1) * 16, :] = jnp.dot(
            oht, d1_ref[c], preferred_element_type=jnp.float32, precision=_HI)

    sm0t = _softmax_cols(mc0t_ref[:, :])
    sl0 = []
    for c in range(9):
        g0t = jnp.dot(oht, d0_ref[c], preferred_element_type=jnp.float32,
                      precision=_HI)
        sl0.append(jnp.dot(g0t, sm0t, preferred_element_type=jnp.float32,
                           precision=_HI))
    b0 = _rot6_cols(sl0)
    for k in range(3):
        for j in range(3):
            p0t_ref[(k * 4 + j) * 16:(k * 4 + j + 1) * 16, :] = b0[j][k]
        p0t_ref[(k * 4 + 3) * 16:(k * 4 + 4) * 16, :] = sl0[k]


def _make_sc_gather(n_rows, d, n_chunks=2):
    info = plsc.get_sparse_core_info()
    nw = info.num_cores * info.num_subcores
    b_per_w = n_rows // nw
    chunk = b_per_w // n_chunks
    mesh = plsc.VectorSubcoreMesh(core_axis_name="c", subcore_axis_name="s")

    @functools.partial(
        pl.kernel, mesh=mesh,
        out_type=jax.ShapeDtypeStruct((n_rows, d), jnp.float32),
        scratch_types=[
            pltpu.VMEM((chunk,), jnp.int32),
            pltpu.VMEM((chunk, d), jnp.float32),
            pltpu.SemaphoreType.DMA,
        ],
    )
    def k(table_hbm, idx_hbm, out_hbm, idx_v, rows_v, sem):
        wid = lax.axis_index("s") * info.num_cores + lax.axis_index("c")
        for ch in range(n_chunks):
            base = wid * b_per_w + ch * chunk
            pltpu.sync_copy(idx_hbm.at[pl.ds(base, chunk)], idx_v)
            pltpu.async_copy(table_hbm.at[idx_v], rows_v, sem).wait()
            pltpu.sync_copy(rows_v, out_hbm.at[pl.ds(base, chunk)])

    return k


def _main_kernel(coefst_ref, part_ref, mallt_ref, pg_ref, out_ref):
    L = coefst_ref.shape[1]
    smt = _softmax_cols(coefst_ref[:, :])
    p = part_ref[:, :]

    sub32 = jax.lax.broadcasted_iota(jnp.int32, (32, L), 0)
    oh32 = (sub32 == jnp.broadcast_to(p, (32, L))).astype(jnp.float32)

    pm = jnp.broadcast_to(oh32[:, None, :], (32, 16, L)).reshape(512, L)
    smtile = jnp.broadcast_to(smt[None, :, :], (32, 16, L)).reshape(512, L)
    at = pm * smtile
    out9t = jnp.dot(mallt_ref[:, :], at, preferred_element_type=jnp.float32,
                    precision=_HI)

    p0gt = jnp.transpose(pg_ref[:, :])[:192]

    sl = [out9t[c * 16:(c + 1) * 16, :] for c in range(9)]
    b = _rot6_cols(sl)
    res = []
    for i in range(3):
        for j in range(4):
            acc = b[0][i] * p0gt[(0 * 4 + j) * 16:(0 * 4 + j + 1) * 16, :]
            acc += b[1][i] * p0gt[(1 * 4 + j) * 16:(1 * 4 + j + 1) * 16, :]
            acc += b[2][i] * p0gt[(2 * 4 + j) * 16:(2 * 4 + j + 1) * 16, :]
            if j == 3:
                acc += sl[i]
            res.append(acc)
    arr = jnp.stack(res, axis=1).reshape(192, L)
    out_ref[:, :] = jnp.transpose(arr)


def kernel(rots_l0, transls_l0, motion_coefs_l0, rots_l1, transls_l1,
           motion_coefs_l1, parent_indices_l0, parent_indices_l1, ts):
    N0, B, Fr = rots_l1.shape[0], rots_l1.shape[1], rots_l1.shape[2]
    T = ts.shape[0]
    N1 = motion_coefs_l1.shape[0]

    d1 = jnp.concatenate([transls_l1, rots_l1], axis=-1)
    d1 = jnp.transpose(d1, (3, 2, 0, 1)).reshape(9, Fr, N0 * B)
    d1 = jnp.pad(d1, ((0, 0), (0, _F_PAD - Fr), (0, 0)))
    d0 = jnp.concatenate([transls_l0, rots_l0], axis=-1)[0]
    d0 = jnp.transpose(d0, (2, 1, 0))
    d0 = jnp.pad(d0, ((0, 0), (0, _F_PAD - Fr), (0, 0)))
    ts2 = ts.reshape(T, 1).astype(jnp.int32)
    mc0t = motion_coefs_l0.T

    mallt, p0t = pl.pallas_call(
        _prep_kernel,
        out_shape=[
            jax.ShapeDtypeStruct((9 * 16, N0 * B), jnp.float32),
            jax.ShapeDtypeStruct((12 * 16, N0), jnp.float32),
        ],
    )(ts2, d1, d0, mc0t)

    coefst = motion_coefs_l1.T
    part = parent_indices_l1.astype(jnp.int32).reshape(1, N1)

    n_sc = _N_PAD
    idx_sc = jnp.pad(parent_indices_l1.astype(jnp.int32), (0, n_sc - N1))
    table = jnp.pad(p0t.T, ((0, 0), (0, 256 - 12 * 16)))
    pg = _make_sc_gather(n_sc, 256)(table, idx_sc)

    grid = (N1 + _TILE - 1) // _TILE
    out = pl.pallas_call(
        _main_kernel,
        grid=(grid,),
        in_specs=[
            pl.BlockSpec((16, _TILE), lambda i: (0, i)),
            pl.BlockSpec((1, _TILE), lambda i: (0, i)),
            pl.BlockSpec((9 * 16, N0 * B), lambda i: (0, 0)),
            pl.BlockSpec((_TILE, 256), lambda i: (i, 0)),
        ],
        out_specs=pl.BlockSpec((_TILE, 12 * 16), lambda i: (i, 0)),
        out_shape=jax.ShapeDtypeStruct((N1, 12 * 16), jnp.float32),
    )(coefst, part, mallt, pg)

    return out.reshape(N1, T, 3, 4)

# --- scband reference (transcript-rebuilt; emitter-appended) ---
"""Pipeline reference for scband-motion-tree-20169166422291 (READ-ONLY COPY).

The authoritative reference and input builder live on the scoring server;
editing this copy changes nothing except your own understanding.
"""

import jax, jax.numpy as jnp
import numpy as np


def cont_6d_to_rmat(d6):
    a1 = d6[..., :3]
    a2 = d6[..., 3:]
    b1 = a1 / jnp.clip(jnp.linalg.norm(a1, axis=-1, keepdims=True), 1e-8)
    b2 = a2 - jnp.sum(b1 * a2, axis=-1, keepdims=True) * b1
    b2 = b2 / jnp.clip(jnp.linalg.norm(b2, axis=-1, keepdims=True), 1e-8)
    b3 = jnp.cross(b1, b2)
    return jnp.stack([b1, b2, b3], axis=-1)


def _level_local(transls, rots, coefs_raw, indices, ts):
    # transls: (P, B, F, 3), rots: (P, B, F, 6), coefs_raw: (N, B), indices: (N,) into P, ts: (T,)
    t = transls[:, :, ts]  # (P, B, T, 3)
    r = rots[:, :, ts]     # (P, B, T, 6)
    coefs = jax.nn.softmax(coefs_raw, axis=-1)  # (N, B)
    t_sc = jnp.take(t, indices, axis=0)  # (N, B, T, 3)
    r_sc = jnp.take(r, indices, axis=0)  # (N, B, T, 6)
    w = coefs[..., None, None]
    t_n = jnp.sum(w * t_sc, axis=1)  # (N, T, 3)
    r_n = jnp.sum(w * r_sc, axis=1)  # (N, T, 6)
    R = cont_6d_to_rmat(r_n)         # (N, T, 3, 3)
    return jnp.concatenate([R, t_n[..., None]], axis=-1)  # (N, T, 3, 4)


def _to_homogeneous(tf):
    N, T = tf.shape[0], tf.shape[1]
    bottom = jnp.array([0.0, 0.0, 0.0, 1.0], dtype=jnp.float32)
    bot = jnp.broadcast_to(bottom.reshape(1, 1, 1, 4), (N, T, 1, 4))
    return jnp.concatenate([tf, bot], axis=-2)  # (N, T, 4, 4)


def setup_inputs(seed: int = 0) -> dict:
    key = jax.random.key(seed)
    ks = jax.random.split(key, 9)
    num_frames = 150
    T = 16
    N0, B0 = 32, 16
    N1, B1 = 20000, 16
    return {
        "rots_l0": jax.random.normal(ks[0], (1, B0, num_frames, 6), dtype=jnp.float32),
        "transls_l0": jax.random.normal(ks[1], (1, B0, num_frames, 3), dtype=jnp.float32),
        "motion_coefs_l0": jax.random.normal(ks[2], (N0, B0), dtype=jnp.float32),
        "rots_l1": jax.random.normal(ks[3], (N0, B1, num_frames, 6), dtype=jnp.float32),
        "transls_l1": jax.random.normal(ks[4], (N0, B1, num_frames, 3), dtype=jnp.float32),
        "motion_coefs_l1": jax.random.normal(ks[5], (N1, B1), dtype=jnp.float32),
        "parent_indices_l0": jnp.zeros((N0,), dtype=jnp.int32),
        "parent_indices_l1": jax.random.randint(ks[6], (N1,), 0, N0, dtype=jnp.int32),
        "ts": jax.random.randint(ks[7], (T,), 0, num_frames, dtype=jnp.int32),
    }


def reference(rots_l0, transls_l0, motion_coefs_l0, rots_l1, transls_l1, motion_coefs_l1, parent_indices_l0, parent_indices_l1, ts):
    # MotionTree.compute_node_world_transforms(ts, level=1) for a 2-level tree
    transforms_parent = jnp.eye(4, dtype=jnp.float32)[None, None, ...]  # (1, 1, 4, 4)
    # level 0
    tf0 = _level_local(transls_l0, rots_l0, motion_coefs_l0, parent_indices_l0, ts)  # (N0, T, 3, 4)
    tf0 = _to_homogeneous(tf0)  # (N0, T, 4, 4)
    tf0 = tf0 @ jnp.take(transforms_parent, parent_indices_l0, axis=0)
    transforms_parent = tf0
    # level 1 (leaf level)
    tf1 = _level_local(transls_l1, rots_l1, motion_coefs_l1, parent_indices_l1, ts)  # (N1, T, 3, 4)
    tf1 = _to_homogeneous(tf1)  # (N1, T, 4, 4)
    tf1 = tf1 @ jnp.take(transforms_parent, parent_indices_l1, axis=0)
    return tf1[..., :3, :]  # (N1, T, 3, 4)

if __name__ == "__main__":
    import jax
    _d = setup_inputs()
    print(jax.jit(kernel)(*tuple(_d.values())))

</pallas_src>

<mosaic_0001>
#map = affine_map<(d0, d1) -> (0, 0)>
#map1 = affine_map<(d0, d1) -> (0)>
module attributes {stable_mosaic.version = 14 : i64} {
  func.func @k(%arg0: i32, %arg1: i32, %arg2: memref<32x256xf32, #tpu.memory_space<hbm>>, %arg3: memref<20480xi32, #tpu.memory_space<hbm>>, %arg4: memref<20480x256xf32, #tpu.memory_space<hbm>>, %arg5: memref<320xi32, #tpu.memory_space<vmem>>, %arg6: memref<320x256xf32, #tpu.memory_space<vmem>>, %arg7: memref<!tpu.dma_semaphore, #tpu.memory_space<semaphore_mem>>) attributes {dimension_semantics = [#tpu.dimension_semantics<core_parallel>, #tpu.dimension_semantics<subcore_parallel>], iteration_bounds = array<i64: 2, 16>, scalar_prefetch = 0 : i64, scratch_operands = 3 : i64, tpu.core_type = #tpu.core_type<sc_vector_subcore>, window_params = [{transform_indices = #map}, {transform_indices = #map1}, {transform_indices = #map}]} {
    %mul3A = arith.constant 2 : i32
    %mul3A_0 = arith.muli %arg1, %mul3A : i32
    %add3A = arith.addi %mul3A_0, %arg0 : i32
    %mul3A_1 = arith.constant 640 : i32
    %mul3A_2 = arith.muli %add3A, %mul3A_1 : i32
    %add3A_3 = arith.constant 0 : i32
    %add3A_4 = arith.addi %mul3A_2, %add3A_3 : i32
    "tpu.region"() ({
      %run_scoped3A = tpu.sem_alloc : memref<!tpu.dma_semaphore, #tpu.memory_space<semaphore_mem>>
      %dma_start3A_19 = tpu.memref_slice %arg3[%add3A_4] : memref<20480xi32, #tpu.memory_space<hbm>> -> memref<320xi32, #tpu.memory_space<hbm>>
      %dma_start3A_20 = tpu.memref_slice %arg3[%add3A_4] : memref<20480xi32, #tpu.memory_space<hbm>> -> memref<320xi32, #tpu.memory_space<hbm>>
      tpu.enqueue_dma source(%dma_start3A_20 : memref<320xi32, #tpu.memory_space<hbm>>) target(%arg5 : memref<320xi32, #tpu.memory_space<vmem>>) target_semaphore(%run_scoped3A : memref<!tpu.dma_semaphore, #tpu.memory_space<semaphore_mem>>)
      %dma_wait3A_21 = tpu.memref_slice %arg3[%add3A_4] : memref<20480xi32, #tpu.memory_space<hbm>> -> memref<320xi32, #tpu.memory_space<hbm>>
      %dma_wait3A_22 = tpu.memref_slice %arg3[%add3A_4] : memref<20480xi32, #tpu.memory_space<hbm>> -> memref<320xi32, #tpu.memory_space<hbm>>
      tpu.wait_dma2 semaphore(%run_scoped3A : memref<!tpu.dma_semaphore, #tpu.memory_space<semaphore_mem>>) src(%dma_wait3A_22 : memref<320xi32, #tpu.memory_space<hbm>>) dst(%arg5 : memref<320xi32, #tpu.memory_space<vmem>>)
      tpu.yield
    }) : () -> ()
    %dma_start3A = arith.constant 0 : i32
    %dma_start3A_5 = arith.constant 0 : i32
    %dma_start3A_6 = tpu.memref_slice %arg2[%dma_start3A, %dma_start3A_5] : memref<32x256xf32, #tpu.memory_space<hbm>> -> memref<32x256xf32, #tpu.memory_space<hbm>>
    tpu.enqueue_indirect_dma source(%dma_start3A_6 : memref<32x256xf32, #tpu.memory_space<hbm>>) target(%arg6 : memref<320x256xf32, #tpu.memory_space<vmem>>) offsets(%arg5 : memref<320xi32, #tpu.memory_space<vmem>>) semaphore(%arg7 : memref<!tpu.dma_semaphore, #tpu.memory_space<semaphore_mem>>)
    %dma_wait3A = arith.constant 0 : i32
    %dma_wait3A_7 = arith.constant 0 : i32
    %dma_wait3A_8 = tpu.memref_slice %arg2[%dma_wait3A, %dma_wait3A_7] : memref<32x256xf32, #tpu.memory_space<hbm>> -> memref<32x256xf32, #tpu.memory_space<hbm>>
    tpu.wait_indirect_dma semaphore(%arg7 : memref<!tpu.dma_semaphore, #tpu.memory_space<semaphore_mem>>) src(%dma_wait3A_8 : memref<32x256xf32, #tpu.memory_space<hbm>>) dst(%arg6 : memref<320x256xf32, #tpu.memory_space<vmem>>)
    "tpu.region"() ({
      %run_scoped3A = tpu.sem_alloc : memref<!tpu.dma_semaphore, #tpu.memory_space<semaphore_mem>>
      %dma_start3A_19 = arith.constant 0 : i32
      %dma_start3A_20 = tpu.memref_slice %arg4[%add3A_4, %dma_start3A_19] : memref<20480x256xf32, #tpu.memory_space<hbm>> -> memref<320x256xf32, #tpu.memory_space<hbm>>
      %dma_start3A_21 = arith.constant 0 : i32
      %dma_start3A_22 = tpu.memref_slice %arg4[%add3A_4, %dma_start3A_21] : memref<20480x256xf32, #tpu.memory_space<hbm>> -> memref<320x256xf32, #tpu.memory_space<hbm>>
      tpu.enqueue_dma source(%arg6 : memref<320x256xf32, #tpu.memory_space<vmem>>) target(%dma_start3A_22 : memref<320x256xf32, #tpu.memory_space<hbm>>) target_semaphore(%run_scoped3A : memref<!tpu.dma_semaphore, #tpu.memory_space<semaphore_mem>>)
      %dma_wait3A_23 = arith.constant 0 : i32
      %dma_wait3A_24 = tpu.memref_slice %arg4[%add3A_4, %dma_wait3A_23] : memref<20480x256xf32, #tpu.memory_space<hbm>> -> memref<320x256xf32, #tpu.memory_space<hbm>>
      %dma_wait3A_25 = arith.constant 0 : i32
      %dma_wait3A_26 = tpu.memref_slice %arg4[%add3A_4, %dma_wait3A_25] : memref<20480x256xf32, #tpu.memory_space<hbm>> -> memref<320x256xf32, #tpu.memory_space<hbm>>
      tpu.wait_dma2 semaphore(%run_scoped3A : memref<!tpu.dma_semaphore, #tpu.memory_space<semaphore_mem>>) src(%arg6 : memref<320x256xf32, #tpu.memory_space<vmem>>) dst(%dma_wait3A_26 : memref<320x256xf32, #tpu.memory_space<hbm>>)
      tpu.yield
    }) : () -> ()
    %mul3A_9 = arith.constant 640 : i32
    %mul3A_10 = arith.muli %add3A, %mul3A_9 : i32
    %add3A_11 = arith.constant 320 : i32
    %add3A_12 = arith.addi %mul3A_10, %add3A_11 : i32
    "tpu.region"() ({
      %run_scoped3A = tpu.sem_alloc : memref<!tpu.dma_semaphore, #tpu.memory_space<semaphore_mem>>
      %dma_start3A_19 = tpu.memref_slice %arg3[%add3A_12] : memref<20480xi32, #tpu.memory_space<hbm>> -> memref<320xi32, #tpu.memory_space<hbm>>
      %dma_start3A_20 = tpu.memref_slice %arg3[%add3A_12] : memref<20480xi32, #tpu.memory_space<hbm>> -> memref<320xi32, #tpu.memory_space<hbm>>
      tpu.enqueue_dma source(%dma_start3A_20 : memref<320xi32, #tpu.memory_space<hbm>>) target(%arg5 : memref<320xi32, #tpu.memory_space<vmem>>) target_semaphore(%run_scoped3A : memref<!tpu.dma_semaphore, #tpu.memory_space<semaphore_mem>>)
      %dma_wait3A_21 = tpu.memref_slice %arg3[%add3A_12] : memref<20480xi32, #tpu.memory_space<hbm>> -> memref<320xi32, #tpu.memory_space<hbm>>
      %dma_wait3A_22 = tpu.memref_slice %arg3[%add3A_12] : memref<20480xi32, #tpu.memory_space<hbm>> -> memref<320xi32, #tpu.memory_space<hbm>>
      tpu.wait_dma2 semaphore(%run_scoped3A : memref<!tpu.dma_semaphore, #tpu.memory_space<semaphore_mem>>) src(%dma_wait3A_22 : memref<320xi32, #tpu.memory_space<hbm>>) dst(%arg5 : memref<320xi32, #tpu.memory_space<vmem>>)
      tpu.yield
    }) : () -> ()
    %dma_start3A_13 = arith.constant 0 : i32
    %dma_start3A_14 = arith.constant 0 : i32
    %dma_start3A_15 = tpu.memref_slice %arg2[%dma_start3A_13, %dma_start3A_14] : memref<32x256xf32, #tpu.memory_space<hbm>> -> memref<32x256xf32, #tpu.memory_space<hbm>>
    tpu.enqueue_indirect_dma source(%dma_start3A_15 : memref<32x256xf32, #tpu.memory_space<hbm>>) target(%arg6 : memref<320x256xf32, #tpu.memory_space<vmem>>) offsets(%arg5 : memref<320xi32, #tpu.memory_space<vmem>>) semaphore(%arg7 : memref<!tpu.dma_semaphore, #tpu.memory_space<semaphore_mem>>)
    %dma_wait3A_16 = arith.constant 0 : i32
    %dma_wait3A_17 = arith.constant 0 : i32
    %dma_wait3A_18 = tpu.memref_slice %arg2[%dma_wait3A_16, %dma_wait3A_17] : memref<32x256xf32, #tpu.memory_space<hbm>> -> memref<32x256xf32, #tpu.memory_space<hbm>>
    tpu.wait_indirect_dma semaphore(%arg7 : memref<!tpu.dma_semaphore, #tpu.memory_space<semaphore_mem>>) src(%dma_wait3A_18 : memref<32x256xf32, #tpu.memory_space<hbm>>) dst(%arg6 : memref<320x256xf32, #tpu.memory_space<vmem>>)
    "tpu.region"() ({
      %run_scoped3A = tpu.sem_alloc : memref<!tpu.dma_semaphore, #tpu.memory_space<semaphore_mem>>
      %dma_start3A_19 = arith.constant 0 : i32
      %dma_start3A_20 = tpu.memref_slice %arg4[%add3A_12, %dma_start3A_19] : memref<20480x256xf32, #tpu.memory_space<hbm>> -> memref<320x256xf32, #tpu.memory_space<hbm>>
      %dma_start3A_21 = arith.constant 0 : i32
      %dma_start3A_22 = tpu.memref_slice %arg4[%add3A_12, %dma_start3A_21] : memref<20480x256xf32, #tpu.memory_space<hbm>> -> memref<320x256xf32, #tpu.memory_space<hbm>>
      tpu.enqueue_dma source(%arg6 : memref<320x256xf32, #tpu.memory_space<vmem>>) target(%dma_start3A_22 : memref<320x256xf32, #tpu.memory_space<hbm>>) target_semaphore(%run_scoped3A : memref<!tpu.dma_semaphore, #tpu.memory_space<semaphore_mem>>)
      %dma_wait3A_23 = arith.constant 0 : i32
      %dma_wait3A_24 = tpu.memref_slice %arg4[%add3A_12, %dma_wait3A_23] : memref<20480x256xf32, #tpu.memory_space<hbm>> -> memref<320x256xf32, #tpu.memory_space<hbm>>
      %dma_wait3A_25 = arith.constant 0 : i32
      %dma_wait3A_26 = tpu.memref_slice %arg4[%add3A_12, %dma_wait3A_25] : memref<20480x256xf32, #tpu.memory_space<hbm>> -> memref<320x256xf32, #tpu.memory_space<hbm>>
      tpu.wait_dma2 semaphore(%run_scoped3A : memref<!tpu.dma_semaphore, #tpu.memory_space<semaphore_mem>>) src(%arg6 : memref<320x256xf32, #tpu.memory_space<vmem>>) dst(%dma_wait3A_26 : memref<320x256xf32, #tpu.memory_space<hbm>>)
      tpu.yield
    }) : () -> ()
    return
  }
}

module attributes {stable_mosaic.version = 14 : i64} {
  func.func @_prep_kernel(%arg0: memref<16x1xi32, #tpu.memory_space<vmem>>, %arg1: memref<9x256x512xf32, #tpu.memory_space<vmem>>, %arg2: memref<9x256x16xf32, #tpu.memory_space<vmem>>, %arg3: memref<16x32xf32, #tpu.memory_space<vmem>>, %arg4: memref<144x512xf32, #tpu.memory_space<vmem>>, %arg5: memref<192x32xf32, #tpu.memory_space<vmem>>) attributes {dimension_semantics = [], scalar_prefetch = 0 : i64, scratch_operands = 0 : i64, tpu.core_type = #tpu.core_type<tc>} {
    %get3A = arith.constant 0 : index
    %get3A_0 = arith.constant 0 : index
    %get3A_1 = vector.load %arg0[%get3A, %get3A_0] : memref<16x1xi32, #tpu.memory_space<vmem>>, vector<16x1xi32>
    %broadcast_in_dim3A = vector.shape_cast %get3A_1 : vector<16x1xi32> to vector<16x1xi32>
    %broadcast_in_dim3A_2 = vector.broadcast %broadcast_in_dim3A : vector<16x1xi32> to vector<16x256xi32>
    %iota3A = tpu.iota {dimensions = array<i32: 1>} : vector<16x256xi32>
    %eq3A = arith.cmpi eq, %broadcast_in_dim3A_2, %iota3A : vector<16x256xi32>
    %convert_element_type3A = arith.extui %eq3A : vector<16x256xi1> to vector<16x256xi32>
    %convert_element_type3A_3 = arith.sitofp %convert_element_type3A : vector<16x256xi32> to vector<16x256xf32>
    %get3A_4 = arith.constant 0 : index
    %get3A_5 = arith.constant 0 : index
    %get3A_6 = arith.constant 0 : index
    %get3A_7 = vector.load %arg1[%get3A_4, %get3A_5, %get3A_6] : memref<9x256x512xf32, #tpu.memory_space<vmem>>, vector<1x256x512xf32>
    %get3A_8 = vector.shape_cast %get3A_7 : vector<1x256x512xf32> to vector<256x512xf32>
    %dot_general3A = arith.constant dense<0.000000e+00> : vector<16x512xf32>
    %dot_general3A_9 = tpu.matmul %convert_element_type3A_3, %get3A_8, %dot_general3A {dimension_numbers = #tpu.dot_dimension_numbers<[1], [0], [0], [1], [0, 0, 1, 1], [], []>, precision = #tpu.contract_precision<fp32>, transpose_lhs_hint = false} : vector<16x256xf32>, vector<256x512xf32>, vector<16x512xf32> -> vector<16x512xf32>
    %swap3A = arith.constant 0 : index
    %swap3A_10 = arith.constant 0 : index
    %swap3A_11 = vector.load %arg4[%swap3A, %swap3A_10] : memref<144x512xf32, #tpu.memory_space<vmem>>, vector<16x512xf32>
    tpu.vector_store %arg4[%swap3A, %swap3A_10], %dot_general3A_9 {strides = array<i32>} : memref<144x512xf32, #tpu.memory_space<vmem>>, vector<16x512xf32>,
    %get3A_12 = arith.constant 1 : index
    %get3A_13 = arith.constant 0 : index
    %get3A_14 = arith.constant 0 : index
    %get3A_15 = vector.load %arg1[%get3A_12, %get3A_13, %get3A_14] : memref<9x256x512xf32, #tpu.memory_space<vmem>>, vector<1x256x512xf32>
    %get3A_16 = vector.shape_cast %get3A_15 : vector<1x256x512xf32> to vector<256x512xf32>
    %dot_general3A_17 = arith.constant dense<0.000000e+00> : vector<16x512xf32>
    %dot_general3A_18 = tpu.matmul %convert_element_type3A_3, %get3A_16, %dot_general3A_17 {dimension_numbers = #tpu.dot_dimension_numbers<[1], [0], [0], [1], [0, 0, 1, 1], [], []>, precision = #tpu.contract_precision<fp32>, transpose_lhs_hint = false} : vector<16x256xf32>, vector<256x512xf32>, vector<16x512xf32> -> vector<16x512xf32>
    %swap3A_19 = arith.constant 16 : index
    %swap3A_20 = arith.constant 0 : index
    %swap3A_21 = vector.load %arg4[%swap3A_19, %swap3A_20] : memref<144x512xf32, #tpu.memory_space<vmem>>, vector<16x512xf32>
    tpu.vector_store %arg4[%swap3A_19, %swap3A_20], %dot_general3A_18 {strides = array<i32>} : memref<144x512xf32, #tpu.memory_space<vmem>>, vector<16x512xf32>,
    %get3A_22 = arith.constant 2 : index
    %get3A_23 = arith.constant 0 : index
    %get3A_24 = arith.constant 0 : index
    %get3A_25 = vector.load %arg1[%get3A_22, %get3A_23, %get3A_24] : memref<9x256x512xf32, #tpu.memory_space<vmem>>, vector<1x256x512xf32>
    %get3A_26 = vector.shape_cast %get3A_25 : vector<1x256x512xf32> to vector<256x512xf32>
    %dot_general3A_27 = arith.constant dense<0.000000e+00> : vector<16x512xf32>
    %dot_general3A_28 = tpu.matmul %convert_element_type3A_3, %get3A_26, %dot_general3A_27 {dimension_numbers = #tpu.dot_dimension_numbers<[1], [0], [0], [1], [0, 0, 1, 1], [], []>, precision = #tpu.contract_precision<fp32>, transpose_lhs_hint = false} : vector<16x256xf32>, vector<256x512xf32>, vector<16x512xf32> -> vector<16x512xf32>
    %swap3A_29 = arith.constant 32 : index
    %swap3A_30 = arith.constant 0 : index
    %swap3A_31 = vector.load %arg4[%swap3A_29, %swap3A_30] : memref<144x512xf32, #tpu.memory_space<vmem>>, vector<16x512xf32>
    tpu.vector_store %arg4[%swap3A_29, %swap3A_30], %dot_general3A_28 {strides = array<i32>} : memref<144x512xf32, #tpu.memory_space<vmem>>, vector<16x512xf32>,
    %get3A_32 = arith.constant 3 : index
    %get3A_33 = arith.constant 0 : index
    %get3A_34 = arith.constant 0 : index
    %get3A_35 = vector.load %arg1[%get3A_32, %get3A_33, %get3A_34] : memref<9x256x512xf32, #tpu.memory_space<vmem>>, vector<1x256x512xf32>
    %get3A_36 = vector.shape_cast %get3A_35 : vector<1x256x512xf32> to vector<256x512xf32>
    %dot_general3A_37 = arith.constant dense<0.000000e+00> : vector<16x512xf32>
    %dot_general3A_38 = tpu.matmul %convert_element_type3A_3, %get3A_36, %dot_general3A_37 {dimension_numbers = #tpu.dot_dimension_numbers<[1], [0], [0], [1], [0, 0, 1, 1], [], []>, precision = #tpu.contract_precision<fp32>, transpose_lhs_hint = false} : vector<16x256xf32>, vector<256x512xf32>, vector<16x512xf32> -> vector<16x512xf32>
    %swap3A_39 = arith.constant 48 : index
    %swap3A_40 = arith.constant 0 : index
    %swap3A_41 = vector.load %arg4[%swap3A_39, %swap3A_40] : memref<144x512xf32, #tpu.memory_space<vmem>>, vector<16x512xf32>
    tpu.vector_store %arg4[%swap3A_39, %swap3A_40], %dot_general3A_38 {strides = array<i32>} : memref<144x512xf32, #tpu.memory_space<vmem>>, vector<16x512xf32>,
    %get3A_42 = arith.constant 4 : index
    %get3A_43 = arith.constant 0 : index
    %get3A_44 = arith.constant 0 : index
    %get3A_45 = vector.load %arg1[%get3A_42, %get3A_43, %get3A_44] : memref<9x256x512xf32, #tpu.memory_space<vmem>>, vector<1x256x512xf32>
    %get3A_46 = vector.shape_cast %get3A_45 : vector<1x256x512xf32> to vector<256x512xf32>
    %dot_general3A_47 = arith.constant dense<0.000000e+00> : vector<16x512xf32>
    %dot_general3A_48 = tpu.matmul %convert_element_type3A_3, %get3A_46, %dot_general3A_47 {dimension_numbers = #tpu.dot_dimension_numbers<[1], [0], [0], [1], [0, 0, 1, 1], [], []>, precision = #tpu.contract_precision<fp32>, transpose_lhs_hint = false} : vector<16x256xf32>, vector<256x512xf32>, vector<16x512xf32> -> vector<16x512xf32>
    %swap3A_49 = arith.constant 64 : index
    %swap3A_50 = arith.constant 0 : index
    %swap3A_51 = vector.load %arg4[%swap3A_49, %swap3A_50] : memref<144x512xf32, #tpu.memory_space<vmem>>, vector<16x512xf32>
    tpu.vector_store %arg4[%swap3A_49, %swap3A_50], %dot_general3A_48 {strides = array<i32>} : memref<144x512xf32, #tpu.memory_space<vmem>>, vector<16x512xf32>,
    %get3A_52 = arith.constant 5 : index
    %get3A_53 = arith.constant 0 : index
    %get3A_54 = arith.constant 0 : index
    %get3A_55 = vector.load %arg1[%get3A_52, %get3A_53, %get3A_54] : memref<9x256x512xf32, #tpu.memory_space<vmem>>, vector<1x256x512xf32>
    %get3A_56 = vector.shape_cast %get3A_55 : vector<1x256x512xf32> to vector<256x512xf32>
    %dot_general3A_57 = arith.constant dense<0.000000e+00> : vector<16x512xf32>
    %dot_general3A_58 = tpu.matmul %convert_element_type3A_3, %get3A_56, %dot_general3A_57 {dimension_numbers = #tpu.dot_dimension_numbers<[1], [0], [0], [1], [0, 0, 1, 1], [], []>, precision = #tpu.contract_precision<fp32>, transpose_lhs_hint = false} : vector<16x256xf32>, vector<256x512xf32>, vector<16x512xf32> -> vector<16x512xf32>
    %swap3A_59 = arith.constant 80 : index
    %swap3A_60 = arith.constant 0 : index
    %swap3A_61 = vector.load %arg4[%swap3A_59, %swap3A_60] : memref<144x512xf32, #tpu.memory_space<vmem>>, vector<16x512xf32>
    tpu.vector_store %arg4[%swap3A_59, %swap3A_60], %dot_general3A_58 {strides = array<i32>} : memref<144x512xf32, #tpu.memory_space<vmem>>, vector<16x512xf32>,
    %get3A_62 = arith.constant 6 : index
    %get3A_63 = arith.constant 0 : index
    %get3A_64 = arith.constant 0 : index
    %get3A_65 = vector.load %arg1[%get3A_62, %get3A_63, %get3A_64] : memref<9x256x512xf32, #tpu.memory_space<vmem>>, vector<1x256x512xf32>
    %get3A_66 = vector.shape_cast %get3A_65 : vector<1x256x512xf32> to vector<256x512xf32>
    %dot_general3A_67 = arith.constant dense<0.000000e+00> : vector<16x512xf32>
    %dot_general3A_68 = tpu.matmul %convert_element_type3A_3, %get3A_66, %dot_general3A_67 {dimension_numbers = #tpu.dot_dimension_numbers<[1], [0], [0], [1], [0, 0, 1, 1], [], []>, precision = #tpu.contract_precision<fp32>, transpose_lhs_hint = false} : vector<16x256xf32>, vector<256x512xf32>, vector<16x512xf32> -> vector<16x512xf32>
    %swap3A_69 = arith.constant 96 : index
    %swap3A_70 = arith.constant 0 : index
    %swap3A_71 = vector.load %arg4[%swap3A_69, %swap3A_70] : memref<144x512xf32, #tpu.memory_space<vmem>>, vector<16x512xf32>
    tpu.vector_store %arg4[%swap3A_69, %swap3A_70], %dot_general3A_68 {strides = array<i32>} : memref<144x512xf32, #tpu.memory_space<vmem>>, vector<16x512xf32>,
    %get3A_72 = arith.constant 7 : index
    %get3A_73 = arith.constant 0 : index
    %get3A_74 = arith.constant 0 : index
    %get3A_75 = vector.load %arg1[%get3A_72, %get3A_73, %get3A_74] : memref<9x256x512xf32, #tpu.memory_space<vmem>>, vector<1x256x512xf32>
    %get3A_76 = vector.shape_cast %get3A_75 : vector<1x256x512xf32> to vector<256x512xf32>
    %dot_general3A_77 = arith.constant dense<0.000000e+00> : vector<16x512xf32>
    %dot_general3A_78 = tpu.matmul %convert_element_type3A_3, %get3A_76, %dot_general3A_77 {dimension_numbers = #tpu.dot_dimension_numbers<[1], [0], [0], [1], [0, 0, 1, 1], [], []>, precision = #tpu.contract_precision<fp32>, transpose_lhs_hint = false} : vector<16x256xf32>, vector<256x512xf32>, vector<16x512xf32> -> vector<16x512xf32>
    %swap3A_79 = arith.constant 112 : index
    %swap3A_80 = arith.constant 0 : index
    %swap3A_81 = vector.load %arg4[%swap3A_79, %swap3A_80] : memref<144x512xf32, #tpu.memory_space<vmem>>, vector<16x512xf32>
    tpu.vector_store %arg4[%swap3A_79, %swap3A_80], %dot_general3A_78 {strides = array<i32>} : memref<144x512xf32, #tpu.memory_space<vmem>>, vector<16x512xf32>,
    %get3A_82 = arith.constant 8 : index
    %get3A_83 = arith.constant 0 : index
    %get3A_84 = arith.constant 0 : index
    %get3A_85 = vector.load %arg1[%get3A_82, %get3A_83, %get3A_84] : memref<9x256x512xf32, #tpu.memory_space<vmem>>, vector<1x256x512xf32>
    %get3A_86 = vector.shape_cast %get3A_85 : vector<1x256x512xf32> to vector<256x512xf32>
    %dot_general3A_87 = arith.constant dense<0.000000e+00> : vector<16x512xf32>
    %dot_general3A_88 = tpu.matmul %convert_element_type3A_3, %get3A_86, %dot_general3A_87 {dimension_numbers = #tpu.dot_dimension_numbers<[1], [0], [0], [1], [0, 0, 1, 1], [], []>, precision = #tpu.contract_precision<fp32>, transpose_lhs_hint = false} : vector<16x256xf32>, vector<256x512xf32>, vector<16x512xf32> -> vector<16x512xf32>
    %swap3A_89 = arith.constant 128 : index
    %swap3A_90 = arith.constant 0 : index
    %swap3A_91 = vector.load %arg4[%swap3A_89, %swap3A_90] : memref<144x512xf32, #tpu.memory_space<vmem>>, vector<16x512xf32>
    tpu.vector_store %arg4[%swap3A_89, %swap3A_90], %dot_general3A_88 {strides = array<i32>} : memref<144x512xf32, #tpu.memory_space<vmem>>, vector<16x512xf32>,
    %get3A_92 = arith.constant 0 : index
    %get3A_93 = arith.constant 0 : index
    %get3A_94 = vector.load %arg3[%get3A_92, %get3A_93] : memref<16x32xf32, #tpu.memory_space<vmem>>, vector<16x32xf32>
    %reduce_max3A = arith.constant dense<0xFF800000> : vector<32xf32>
    %reduce_max3A_95 = vector.multi_reduction <maximumf>, %get3A_94, %reduce_max3A [0] : vector<16x32xf32> to vector<32xf32>
    %broadcast_in_dim3A_96 = vector.shape_cast %reduce_max3A_95 : vector<32xf32> to vector<1x32xf32>
    %sub3A = vector.broadcast %broadcast_in_dim3A_96 : vector<1x32xf32> to vector<16x32xf32>
    %sub3A_97 = arith.subf %get3A_94, %sub3A : vector<16x32xf32>
    %exp3A = math.exp %sub3A_97 : vector<16x32xf32>
    %reduce_sum3A = arith.constant dense<0.000000e+00> : vector<32xf32>
    %reduce_sum3A_98 = vector.multi_reduction <add>, %exp3A, %reduce_sum3A [0] : vector<16x32xf32> to vector<32xf32>
    %broadcast_in_dim3A_99 = vector.shape_cast %reduce_sum3A_98 : vector<32xf32> to vector<1x32xf32>
    %div3A = vector.broadcast %broadcast_in_dim3A_99 : vector<1x32xf32> to vector<16x32xf32>
    %div3A_100 = arith.divf %exp3A, %div3A : vector<16x32xf32>
    %get3A_101 = arith.constant 0 : index
    %get3A_102 = arith.constant 0 : index
    %get3A_103 = arith.constant 0 : index
    %get3A_104 = vector.load %arg2[%get3A_101, %get3A_102, %get3A_103] : memref<9x256x16xf32, #tpu.memory_space<vmem>>, vector<1x256x16xf32>
    %get3A_105 = vector.shape_cast %get3A_104 : vector<1x256x16xf32> to vector<256x16xf32>
    %dot_general3A_106 = arith.constant dense<0.000000e+00> : vector<16x16xf32>
    %dot_general3A_107 = tpu.matmul %convert_element_type3A_3, %get3A_105, %dot_general3A_106 {dimension_numbers = #tpu.dot_dimension_numbers<[1], [0], [0], [1], [0, 0, 1, 1], [], []>, precision = #tpu.contract_precision<fp32>, transpose_lhs_hint = false} : vector<16x256xf32>, vector<256x16xf32>, vector<16x16xf32> -> vector<16x16xf32>
    %dot_general3A_108 = arith.constant dense<0.000000e+00> : vector<16x32xf32>
    %dot_general3A_109 = tpu.matmul %dot_general3A_107, %div3A_100, %dot_general3A_108 {dimension_numbers = #tpu.dot_dimension_numbers<[1], [0], [0], [1], [0, 0, 1, 1], [], []>, precision = #tpu.contract_precision<fp32>, transpose_lhs_hint = false} : vector<16x16xf32>, vector<16x32xf32>, vector<16x32xf32> -> vector<16x32xf32>
    %get3A_110 = arith.constant 1 : index
    %get3A_111 = arith.constant 0 : index
    %get3A_112 = arith.constant 0 : index
    %get3A_113 = vector.load %arg2[%get3A_110, %get3A_111, %get3A_112] : memref<9x256x16xf32, #tpu.memory_space<vmem>>, vector<1x256x16xf32>
    %get3A_114 = vector.shape_cast %get3A_113 : vector<1x256x16xf32> to vector<256x16xf32>
    %dot_general3A_115 = arith.constant dense<0.000000e+00> : vector<16x16xf32>
    %dot_general3A_116 = tpu.matmul %convert_element_type3A_3, %get3A_114, %dot_general3A_115 {dimension_numbers = #tpu.dot_dimension_numbers<[1], [0], [0], [1], [0, 0, 1, 1], [], []>, precision = #tpu.contract_precision<fp32>, transpose_lhs_hint = false} : vector<16x256xf32>, vector<256x16xf32>, vector<16x16xf32> -> vector<16x16xf32>
    %dot_general3A_117 = arith.constant dense<0.000000e+00> : vector<16x32xf32>
    %dot_general3A_118 = tpu.matmul %dot_general3A_116, %div3A_100, %dot_general3A_117 {dimension_numbers = #tpu.dot_dimension_numbers<[1], [0], [0], [1], [0, 0, 1, 1], [], []>, precision = #tpu.contract_precision<fp32>, transpose_lhs_hint = false} : vector<16x16xf32>, vector<16x32xf32>, vector<16x32xf32> -> vector<16x32xf32>
    %get3A_119 = arith.constant 2 : index
    %get3A_120 = arith.constant 0 : index
    %get3A_121 = arith.constant 0 : index
    %get3A_122 = vector.load %arg2[%get3A_119, %get3A_120, %get3A_121] : memref<9x256x16xf32, #tpu.memory_space<vmem>>, vector<1x256x16xf32>
    %get3A_123 = vector.shape_cast %get3A_122 : vector<1x256x16xf32> to vector<256x16xf32>
    %dot_general3A_124 = arith.constant dense<0.000000e+00> : vector<16x16xf32>
    %dot_general3A_125 = tpu.matmul %convert_element_type3A_3, %get3A_123, %dot_general3A_124 {dimension_numbers = #tpu.dot_dimension_numbers<[1], [0], [0], [1], [0, 0, 1, 1], [], []>, precision = #tpu.contract_precision<fp32>, transpose_lhs_hint = false} : vector<16x256xf32>, vector<256x16xf32>, vector<16x16xf32> -> vector<16x16xf32>
    %dot_general3A_126 = arith.constant dense<0.000000e+00> : vector<16x32xf32>
    %dot_general3A_127 = tpu.matmul %dot_general3A_125, %div3A_100, %dot_general3A_126 {dimension_numbers = #tpu.dot_dimension_numbers<[1], [0], [0], [1], [0, 0, 1, 1], [], []>, precision = #tpu.contract_precision<fp32>, transpose_lhs_hint = false} : vector<16x16xf32>, vector<16x32xf32>, vector<16x32xf32> -> vector<16x32xf32>
    %get3A_128 = arith.constant 3 : index
    %get3A_129 = arith.constant 0 : index
    %get3A_130 = arith.constant 0 : index
    %get3A_131 = vector.load %arg2[%get3A_128, %get3A_129, %get3A_130] : memref<9x256x16xf32, #tpu.memory_space<vmem>>, vector<1x256x16xf32>
    %get3A_132 = vector.shape_cast %get3A_131 : vector<1x256x16xf32> to vector<256x16xf32>
    %dot_general3A_133 = arith.constant dense<0.000000e+00> : vector<16x16xf32>
    %dot_general3A_134 = tpu.matmul %convert_element_type3A_3, %get3A_132, %dot_general3A_133 {dimension_numbers = #tpu.dot_dimension_numbers<[1], [0], [0], [1], [0, 0, 1, 1], [], []>, precision = #tpu.contract_precision<fp32>, transpose_lhs_hint = false} : vector<16x256xf32>, vector<256x16xf32>, vector<16x16xf32> -> vector<16x16xf32>
    %dot_general3A_135 = arith.constant dense<0.000000e+00> : vector<16x32xf32>
    %dot_general3A_136 = tpu.matmul %dot_general3A_134, %div3A_100, %dot_general3A_135 {dimension_numbers = #tpu.dot_dimension_numbers<[1], [0], [0], [1], [0, 0, 1, 1], [], []>, precision = #tpu.contract_precision<fp32>, transpose_lhs_hint = false} : vector<16x16xf32>, vector<16x32xf32>, vector<16x32xf32> -> vector<16x32xf32>
    %get3A_137 = arith.constant 4 : index
    %get3A_138 = arith.constant 0 : index
    %get3A_139 = arith.constant 0 : index
    %get3A_140 = vector.load %arg2[%get3A_137, %get3A_138, %get3A_139] : memref<9x256x16xf32, #tpu.memory_space<vmem>>, vector<1x256x16xf32>
    %get3A_141 = vector.shape_cast %get3A_140 : vector<1x256x16xf32> to vector<256x16xf32>
    %dot_general3A_142 = arith.constant dense<0.000000e+00> : vector<16x16xf32>
    %dot_general3A_143 = tpu.matmul %convert_element_type3A_3, %get3A_141, %dot_general3A_142 {dimension_numbers = #tpu.dot_dimension_numbers<[1], [0], [0], [1], [0, 0, 1, 1], [], []>, precision = #tpu.contract_precision<fp32>, transpose_lhs_hint = false} : vector<16x256xf32>, vector<256x16xf32>, vector<16x16xf32> -> vector<16x16xf32>
    %dot_general3A_144 = arith.constant dense<0.000000e+00> : vector<16x32xf32>
    %dot_general3A_145 = tpu.matmul %dot_general3A_143, %div3A_100, %dot_general3A_144 {dimension_numbers = #tpu.dot_dimension_numbers<[1], [0], [0], [1], [0, 0, 1, 1], [], []>, precision = #tpu.contract_precision<fp32>, transpose_lhs_hint = false} : vector<16x16xf32>, vector<16x32xf32>, vector<16x32xf32> -> vector<16x32xf32>
    %get3A_146 = arith.constant 5 : index
    %get3A_147 = arith.constant 0 : index
    %get3A_148 = arith.constant 0 : index
    %get3A_149 = vector.load %arg2[%get3A_146, %get3A_147, %get3A_148] : memref<9x256x16xf32, #tpu.memory_space<vmem>>, vector<1x256x16xf32>
    %get3A_150 = vector.shape_cast %get3A_149 : vector<1x256x16xf32> to vector<256x16xf32>
    %dot_general3A_151 = arith.constant dense<0.000000e+00> : vector<16x16xf32>
    %dot_general3A_152 = tpu.matmul %convert_element_type3A_3, %get3A_150, %dot_general3A_151 {dimension_numbers = #tpu.dot_dimension_numbers<[1], [0], [0], [1], [0, 0, 1, 1], [], []>, precision = #tpu.contract_precision<fp32>, transpose_lhs_hint = false} : vector<16x256xf32>, vector<256x16xf32>, vector<16x16xf32> -> vector<16x16xf32>
    %dot_general3A_153 = arith.constant dense<0.000000e+00> : vector<16x32xf32>
    %dot_general3A_154 = tpu.matmul %dot_general3A_152, %div3A_100, %dot_general3A_153 {dimension_numbers = #tpu.dot_dimension_numbers<[1], [0], [0], [1], [0, 0, 1, 1], [], []>, precision = #tpu.contract_precision<fp32>, transpose_lhs_hint = false} : vector<16x16xf32>, vector<16x32xf32>, vector<16x32xf32> -> vector<16x32xf32>
    %get3A_155 = arith.constant 6 : index
    %get3A_156 = arith.constant 0 : index
    %get3A_157 = arith.constant 0 : index
    %get3A_158 = vector.load %arg2[%get3A_155, %get3A_156, %get3A_157] : memref<9x256x16xf32, #tpu.memory_space<vmem>>, vector<1x256x16xf32>
    %get3A_159 = vector.shape_cast %get3A_158 : vector<1x256x16xf32> to vector<256x16xf32>
    %dot_general3A_160 = arith.constant dense<0.000000e+00> : vector<16x16xf32>
    %dot_general3A_161 = tpu.matmul %convert_element_type3A_3, %get3A_159, %dot_general3A_160 {dimension_numbers = #tpu.dot_dimension_numbers<[1], [0], [0], [1], [0, 0, 1, 1], [], []>, precision = #tpu.contract_precision<fp32>, transpose_lhs_hint = false} : vector<16x256xf32>, vector<256x16xf32>, vector<16x16xf32> -> vector<16x16xf32>
    %dot_general3A_162 = arith.constant dense<0.000000e+00> : vector<16x32xf32>
    %dot_general3A_163 = tpu.matmul %dot_general3A_161, %div3A_100, %dot_general3A_162 {dimension_numbers = #tpu.dot_dimension_numbers<[1], [0], [0], [1], [0, 0, 1, 1], [], []>, precision = #tpu.contract_precision<fp32>, transpose_lhs_hint = false} : vector<16x16xf32>, vector<16x32xf32>, vector<16x32xf32> -> vector<16x32xf32>
    %get3A_164 = arith.constant 7 : index
    %get3A_165 = arith.constant 0 : index
    %get3A_166 = arith.constant 0 : index
    %get3A_167 = vector.load %arg2[%get3A_164, %get3A_165, %get3A_166] : memref<9x256x16xf32, #tpu.memory_space<vmem>>, vector<1x256x16xf32>
    %get3A_168 = vector.shape_cast %get3A_167 : vector<1x256x16xf32> to vector<256x16xf32>
    %dot_general3A_169 = arith.constant dense<0.000000e+00> : vector<16x16xf32>
    %dot_general3A_170 = tpu.matmul %convert_element_type3A_3, %get3A_168, %dot_general3A_169 {dimension_numbers = #tpu.dot_dimension_numbers<[1], [0], [0], [1], [0, 0, 1, 1], [], []>, precision = #tpu.contract_precision<fp32>, transpose_lhs_hint = false} : vector<16x256xf32>, vector<256x16xf32>, vector<16x16xf32> -> vector<16x16xf32>
    %dot_general3A_171 = arith.constant dense<0.000000e+00> : vector<16x32xf32>
    %dot_general3A_172 = tpu.matmul %dot_general3A_170, %div3A_100, %dot_general3A_171 {dimension_numbers = #tpu.dot_dimension_numbers<[1], [0], [0], [1], [0, 0, 1, 1], [], []>, precision = #tpu.contract_precision<fp32>, transpose_lhs_hint = false} : vector<16x16xf32>, vector<16x32xf32>, vector<16x32xf32> -> vector<16x32xf32>
    %get3A_173 = arith.constant 8 : index
    %get3A_174 = arith.constant 0 : index
    %get3A_175 = arith.constant 0 : index
    %get3A_176 = vector.load %arg2[%get3A_173, %get3A_174, %get3A_175] : memref<9x256x16xf32, #tpu.memory_space<vmem>>, vector<1x256x16xf32>
    %get3A_177 = vector.shape_cast %get3A_176 : vector<1x256x16xf32> to vector<256x16xf32>
    %dot_general3A_178 = arith.constant dense<0.000000e+00> : vector<16x16xf32>
    %dot_general3A_179 = tpu.matmul %convert_element_type3A_3, %get3A_177, %dot_general3A_178 {dimension_numbers = #tpu.dot_dimension_numbers<[1], [0], [0], [1], [0, 0, 1, 1], [], []>, precision = #tpu.contract_precision<fp32>, transpose_lhs_hint = false} : vector<16x256xf32>, vector<256x16xf32>, vector<16x16xf32> -> vector<16x16xf32>
    %dot_general3A_180 = arith.constant dense<0.000000e+00> : vector<16x32xf32>
    %dot_general3A_181 = tpu.matmul %dot_general3A_179, %div3A_100, %dot_general3A_180 {dimension_numbers = #tpu.dot_dimension_numbers<[1], [0], [0], [1], [0, 0, 1, 1], [], []>, precision = #tpu.contract_precision<fp32>, transpose_lhs_hint = false} : vector<16x16xf32>, vector<16x32xf32>, vector<16x32xf32> -> vector<16x32xf32>
    %mul3A = arith.mulf %dot_general3A_136, %dot_general3A_136 : vector<16x32xf32>
    %mul3A_182 = arith.mulf %dot_general3A_145, %dot_general3A_145 : vector<16x32xf32>
    %add3A = arith.addf %mul3A, %mul3A_182 : vector<16x32xf32>
    %mul3A_183 = arith.mulf %dot_general3A_154, %dot_general3A_154 : vector<16x32xf32>
    %add3A_184 = arith.addf %add3A, %mul3A_183 : vector<16x32xf32>
    %sqrt3A = math.sqrt %add3A_184 : vector<16x32xf32>
    %max3A = arith.constant 9.99999993E-9 : f32
    %max3A_185 = vector.broadcast %max3A : f32 to vector<16x32xf32>
    %max3A_186 = arith.maximumf %sqrt3A, %max3A_185 : vector<16x32xf32>
    %div3A_187 = arith.divf %dot_general3A_136, %max3A_186 : vector<16x32xf32>
    %div3A_188 = arith.divf %dot_general3A_145, %max3A_186 : vector<16x32xf32>
    %div3A_189 = arith.divf %dot_general3A_154, %max3A_186 : vector<16x32xf32>
    %mul3A_190 = arith.mulf %div3A_187, %dot_general3A_163 : vector<16x32xf32>
    %mul3A_191 = arith.mulf %div3A_188, %dot_general3A_172 : vector<16x32xf32>
    %add3A_192 = arith.addf %mul3A_190, %mul3A_191 : vector<16x32xf32>
    %mul3A_193 = arith.mulf %div3A_189, %dot_general3A_181 : vector<16x32xf32>
    %add3A_194 = arith.addf %add3A_192, %mul3A_193 : vector<16x32xf32>
    %mul3A_195 = arith.mulf %add3A_194, %div3A_187 : vector<16x32xf32>
    %sub3A_196 = arith.subf %dot_general3A_163, %mul3A_195 : vector<16x32xf32>
    %mul3A_197 = arith.mulf %add3A_194, %div3A_188 : vector<16x32xf32>
    %sub3A_198 = arith.subf %dot_general3A_172, %mul3A_197 : vector<16x32xf32>
    %mul3A_199 = arith.mulf %add3A_194, %div3A_189 : vector<16x32xf32>
    %sub3A_200 = arith.subf %dot_general3A_181, %mul3A_199 : vector<16x32xf32>
    %mul3A_201 = arith.mulf %sub3A_196, %sub3A_196 : vector<16x32xf32>
    %mul3A_202 = arith.mulf %sub3A_198, %sub3A_198 : vector<16x32xf32>
    %add3A_203 = arith.addf %mul3A_201, %mul3A_202 : vector<16x32xf32>
    %mul3A_204 = arith.mulf %sub3A_200, %sub3A_200 : vector<16x32xf32>
    %add3A_205 = arith.addf %add3A_203, %mul3A_204 : vector<16x32xf32>
    %sqrt3A_206 = math.sqrt %add3A_205 : vector<16x32xf32>
    %max3A_207 = arith.constant 9.99999993E-9 : f32
    %max3A_208 = vector.broadcast %max3A_207 : f32 to vector<16x32xf32>
    %max3A_209 = arith.maximumf %sqrt3A_206, %max3A_208 : vector<16x32xf32>
    %div3A_210 = arith.divf %sub3A_196, %max3A_209 : vector<16x32xf32>
    %div3A_211 = arith.divf %sub3A_198, %max3A_209 : vector<16x32xf32>
    %div3A_212 = arith.divf %sub3A_200, %max3A_209 : vector<16x32xf32>
    %mul3A_213 = arith.mulf %div3A_188, %div3A_212 : vector<16x32xf32>
    %mul3A_214 = arith.mulf %div3A_189, %div3A_211 : vector<16x32xf32>
    %sub3A_215 = arith.subf %mul3A_213, %mul3A_214 : vector<16x32xf32>
    %mul3A_216 = arith.mulf %div3A_189, %div3A_210 : vector<16x32xf32>
    %mul3A_217 = arith.mulf %div3A_187, %div3A_212 : vector<16x32xf32>
    %sub3A_218 = arith.subf %mul3A_216, %mul3A_217 : vector<16x32xf32>
    %mul3A_219 = arith.mulf %div3A_187, %div3A_211 : vector<16x32xf32>
    %mul3A_220 = arith.mulf %div3A_188, %div3A_210 : vector<16x32xf32>
    %sub3A_221 = arith.subf %mul3A_219, %mul3A_220 : vector<16x32xf32>
    %swap3A_222 = arith.constant 0 : index
    %swap3A_223 = arith.constant 0 : index
    %swap3A_224 = vector.load %arg5[%swap3A_222, %swap3A_223] : memref<192x32xf32, #tpu.memory_space<vmem>>, vector<16x32xf32>
    tpu.vector_store %arg5[%swap3A_222, %swap3A_223], %div3A_187 {strides = array<i32>} : memref<192x32xf32, #tpu.memory_space<vmem>>, vector<16x32xf32>,
    %swap3A_225 = arith.constant 16 : index
    %swap3A_226 = arith.constant 0 : index
    %swap3A_227 = vector.load %arg5[%swap3A_225, %swap3A_226] : memref<192x32xf32, #tpu.memory_space<vmem>>, vector<16x32xf32>
    tpu.vector_store %arg5[%swap3A_225, %swap3A_226], %div3A_210 {strides = array<i32>} : memref<192x32xf32, #tpu.memory_space<vmem>>, vector<16x32xf32>,
    %swap3A_228 = arith.constant 32 : index
    %swap3A_229 = arith.constant 0 : index
    %swap3A_230 = vector.load %arg5[%swap3A_228, %swap3A_229] : memref<192x32xf32, #tpu.memory_space<vmem>>, vector<16x32xf32>
    tpu.vector_store %arg5[%swap3A_228, %swap3A_229], %sub3A_215 {strides = array<i32>} : memref<192x32xf32, #tpu.memory_space<vmem>>, vector<16x32xf32>,
    %swap3A_231 = arith.constant 48 : index
    %swap3A_232 = arith.constant 0 : index
    %swap3A_233 = vector.load %arg5[%swap3A_231, %swap3A_232] : memref<192x32xf32, #tpu.memory_space<vmem>>, vector<16x32xf32>
    tpu.vector_store %arg5[%swap3A_231, %swap3A_232], %dot_general3A_109 {strides = array<i32>} : memref<192x32xf32, #tpu.memory_space<vmem>>, vector<16x32xf32>,
    %swap3A_234 = arith.constant 64 : index
    %swap3A_235 = arith.constant 0 : index
    %swap3A_236 = vector.load %arg5[%swap3A_234, %swap3A_235] : memref<192x32xf32, #tpu.memory_space<vmem>>, vector<16x32xf32>
    tpu.vector_store %arg5[%swap3A_234, %swap3A_235], %div3A_188 {strides = array<i32>} : memref<192x32xf32, #tpu.memory_space<vmem>>, vector<16x32xf32>,
    %swap3A_237 = arith.constant 80 : index
    %swap3A_238 = arith.constant 0 : index
    %swap3A_239 = vector.load %arg5[%swap3A_237, %swap3A_238] : memref<192x32xf32, #tpu.memory_space<vmem>>, vector<16x32xf32>
    tpu.vector_store %arg5[%swap3A_237, %swap3A_238], %div3A_211 {strides = array<i32>} : memref<192x32xf32, #tpu.memory_space<vmem>>, vector<16x32xf32>,
    %swap3A_240 = arith.constant 96 : index
    %swap3A_241 = arith.constant 0 : index
    %swap3A_242 = vector.load %arg5[%swap3A_240, %swap3A_241] : memref<192x32xf32, #tpu.memory_space<vmem>>, vector<16x32xf32>
    tpu.vector_store %arg5[%swap3A_240, %swap3A_241], %sub3A_218 {strides = array<i32>} : memref<192x32xf32, #tpu.memory_space<vmem>>, vector<16x32xf32>,
    %swap3A_243 = arith.constant 112 : index
    %swap3A_244 = arith.constant 0 : index
    %swap3A_245 = vector.load %arg5[%swap3A_243, %swap3A_244] : memref<192x32xf32, #tpu.memory_space<vmem>>, vector<16x32xf32>
    tpu.vector_store %arg5[%swap3A_243, %swap3A_244], %dot_general3A_118 {strides = array<i32>} : memref<192x32xf32, #tpu.memory_space<vmem>>, vector<16x32xf32>,
    %swap3A_246 = arith.constant 128 : index
    %swap3A_247 = arith.constant 0 : index
    %swap3A_248 = vector.load %arg5[%swap3A_246, %swap3A_247] : memref<192x32xf32, #tpu.memory_space<vmem>>, vector<16x32xf32>
    tpu.vector_store %arg5[%swap3A_246, %swap3A_247], %div3A_189 {strides = array<i32>} : memref<192x32xf32, #tpu.memory_space<vmem>>, vector<16x32xf32>,
    %swap3A_249 = arith.constant 144 : index
    %swap3A_250 = arith.constant 0 : index
    %swap3A_251 = vector.load %arg5[%swap3A_249, %swap3A_250] : memref<192x32xf32, #tpu.memory_space<vmem>>, vector<16x32xf32>
    tpu.vector_store %arg5[%swap3A_249, %swap3A_250], %div3A_212 {strides = array<i32>} : memref<192x32xf32, #tpu.memory_space<vmem>>, vector<16x32xf32>,
    %swap3A_252 = arith.constant 160 : index
    %swap3A_253 = arith.constant 0 : index
    %swap3A_254 = vector.load %arg5[%swap3A_252, %swap3A_253] : memref<192x32xf32, #tpu.memory_space<vmem>>, vector<16x32xf32>
    tpu.vector_store %arg5[%swap3A_252, %swap3A_253], %sub3A_221 {strides = array<i32>} : memref<192x32xf32, #tpu.memory_space<vmem>>, vector<16x32xf32>,
    %swap3A_255 = arith.constant 176 : index
    %swap3A_256 = arith.constant 0 : index
    %swap3A_257 = vector.load %arg5[%swap3A_255, %swap3A_256] : memref<192x32xf32, #tpu.memory_space<vmem>>, vector<16x32xf32>
    tpu.vector_store %arg5[%swap3A_255, %swap3A_256], %dot_general3A_127 {strides = array<i32>} : memref<192x32xf32, #tpu.memory_space<vmem>>, vector<16x32xf32>,
    return
  }
}

module attributes {stable_mosaic.version = 14 : i64} {
  func.func @_main_kernel(%arg0: i32, %arg1: memref<16x2048xf32, #tpu.memory_space<vmem>>, %arg2: memref<1x2048xi32, #tpu.memory_space<vmem>>, %arg3: memref<144x512xf32, #tpu.memory_space<vmem>>, %arg4: memref<2048x256xf32, #tpu.memory_space<vmem>>, %arg5: memref<2048x192xf32, #tpu.memory_space<vmem>>) attributes {dimension_semantics = [#tpu.dimension_semantics<arbitrary>], iteration_bounds = array<i64: 10>, scalar_prefetch = 0 : i64, scratch_operands = 0 : i64, tpu.core_type = #tpu.core_type<tc>, window_params = [{transform_indices = @transform_0, window_bounds = array<i64: 16, 2048>}, {transform_indices = @transform_1, window_bounds = array<i64: 1, 2048>}, {pipeline_mode = #tpu.pipeline_mode<synchronous>, transform_indices = @transform_2, window_bounds = array<i64: 144, 512>}, {transform_indices = @transform_3, window_bounds = array<i64: 2048, 256>}, {transform_indices = @transform_4, window_bounds = array<i64: 2048, 192>}]} {
    %get3A = arith.constant 0 : index
    %get3A_0 = arith.constant 0 : index
    %get3A_1 = vector.load %arg1[%get3A, %get3A_0] : memref<16x2048xf32, #tpu.memory_space<vmem>>, vector<16x2048xf32>
    %reduce_max3A = arith.constant dense<0xFF800000> : vector<2048xf32>
    %reduce_max3A_2 = vector.multi_reduction <maximumf>, %get3A_1, %reduce_max3A [0] : vector<16x2048xf32> to vector<2048xf32>
    %broadcast_in_dim3A = vector.shape_cast %reduce_max3A_2 : vector<2048xf32> to vector<1x2048xf32>
    %sub3A = vector.broadcast %broadcast_in_dim3A : vector<1x2048xf32> to vector<16x2048xf32>
    %sub3A_3 = arith.subf %get3A_1, %sub3A : vector<16x2048xf32>
    %exp3A = math.exp %sub3A_3 : vector<16x2048xf32>
    %reduce_sum3A = arith.constant dense<0.000000e+00> : vector<2048xf32>
    %reduce_sum3A_4 = vector.multi_reduction <add>, %exp3A, %reduce_sum3A [0] : vector<16x2048xf32> to vector<2048xf32>
    %broadcast_in_dim3A_5 = vector.shape_cast %reduce_sum3A_4 : vector<2048xf32> to vector<1x2048xf32>
    %div3A = vector.broadcast %broadcast_in_dim3A_5 : vector<1x2048xf32> to vector<16x2048xf32>
    %div3A_6 = arith.divf %exp3A, %div3A : vector<16x2048xf32>
    %get3A_7 = arith.constant 0 : index
    %get3A_8 = arith.constant 0 : index
    %get3A_9 = vector.load %arg2[%get3A_7, %get3A_8] : memref<1x2048xi32, #tpu.memory_space<vmem>>, vector<1x2048xi32>
    %iota3A = tpu.iota {dimensions = array<i32: 0>} : vector<32x2048xi32>
    %broadcast_in_dim3A_10 = vector.shape_cast %get3A_9 : vector<1x2048xi32> to vector<1x2048xi32>
    %broadcast_in_dim3A_11 = vector.broadcast %broadcast_in_dim3A_10 : vector<1x2048xi32> to vector<32x2048xi32>
    %eq3A = arith.cmpi eq, %iota3A, %broadcast_in_dim3A_11 : vector<32x2048xi32>
    %convert_element_type3A = arith.extui %eq3A : vector<32x2048xi1> to vector<32x2048xi32>
    %convert_element_type3A_12 = arith.sitofp %convert_element_type3A : vector<32x2048xi32> to vector<32x2048xf32>
    %broadcast_in_dim3A_13 = vector.shape_cast %convert_element_type3A_12 : vector<32x2048xf32> to vector<32x1x2048xf32>
    %broadcast_in_dim3A_14 = vector.shape_cast %broadcast_in_dim3A_13 : vector<32x1x2048xf32> to vector<32x1x2048xf32>
    %broadcast_in_dim3A_15 = vector.broadcast %broadcast_in_dim3A_14 : vector<32x1x2048xf32> to vector<32x16x2048xf32>
    %reshape3A = vector.shape_cast %broadcast_in_dim3A_15 : vector<32x16x2048xf32> to vector<512x2048xf32>
    %broadcast_in_dim3A_16 = vector.shape_cast %div3A_6 : vector<16x2048xf32> to vector<1x16x2048xf32>
    %broadcast_in_dim3A_17 = vector.shape_cast %broadcast_in_dim3A_16 : vector<1x16x2048xf32> to vector<1x16x2048xf32>
    %broadcast_in_dim3A_18 = vector.broadcast %broadcast_in_dim3A_17 : vector<1x16x2048xf32> to vector<32x16x2048xf32>
    %reshape3A_19 = vector.shape_cast %broadcast_in_dim3A_18 : vector<32x16x2048xf32> to vector<512x2048xf32>
    %mul3A = arith.mulf %reshape3A, %reshape3A_19 : vector<512x2048xf32>
    %get3A_20 = arith.constant 0 : index
    %get3A_21 = arith.constant 0 : index
    %get3A_22 = vector.load %arg3[%get3A_20, %get3A_21] : memref<144x512xf32, #tpu.memory_space<vmem>>, vector<144x512xf32>
    %dot_general3A = arith.constant dense<0.000000e+00> : vector<144x2048xf32>
    %dot_general3A_23 = tpu.matmul %get3A_22, %mul3A, %dot_general3A {dimension_numbers = #tpu.dot_dimension_numbers<[1], [0], [0], [1], [0, 0, 1, 1], [], []>, precision = #tpu.contract_precision<fp32>, transpose_lhs_hint = false} : vector<144x512xf32>, vector<512x2048xf32>, vector<144x2048xf32> -> vector<144x2048xf32>
    %get3A_24 = arith.constant 0 : index
    %get3A_25 = arith.constant 0 : index
    %get3A_26 = vector.load %arg4[%get3A_24, %get3A_25] : memref<2048x256xf32, #tpu.memory_space<vmem>>, vector<2048x256xf32>
    %transpose3A = tpu.transpose %get3A_26, [1, 0] : vector<2048x256xf32> -> vector<256x2048xf32>
    %slice3A = vector.extract_strided_slice %transpose3A {offsets = [0, 0], sizes = [192, 2048], strides = [1, 1]} : vector<256x2048xf32> to vector<192x2048xf32>
    %slice3A_27 = vector.extract_strided_slice %dot_general3A_23 {offsets = [0, 0], sizes = [16, 2048], strides = [1, 1]} : vector<144x2048xf32> to vector<16x2048xf32>
    %slice3A_28 = vector.extract_strided_slice %dot_general3A_23 {offsets = [16, 0], sizes = [16, 2048], strides = [1, 1]} : vector<144x2048xf32> to vector<16x2048xf32>
    %slice3A_29 = vector.extract_strided_slice %dot_general3A_23 {offsets = [32, 0], sizes = [16, 2048], strides = [1, 1]} : vector<144x2048xf32> to vector<16x2048xf32>
    %slice3A_30 = vector.extract_strided_slice %dot_general3A_23 {offsets = [48, 0], sizes = [16, 2048], strides = [1, 1]} : vector<144x2048xf32> to vector<16x2048xf32>
    %slice3A_31 = vector.extract_strided_slice %dot_general3A_23 {offsets = [64, 0], sizes = [16, 2048], strides = [1, 1]} : vector<144x2048xf32> to vector<16x2048xf32>
    %slice3A_32 = vector.extract_strided_slice %dot_general3A_23 {offsets = [80, 0], sizes = [16, 2048], strides = [1, 1]} : vector<144x2048xf32> to vector<16x2048xf32>
    %slice3A_33 = vector.extract_strided_slice %dot_general3A_23 {offsets = [96, 0], sizes = [16, 2048], strides = [1, 1]} : vector<144x2048xf32> to vector<16x2048xf32>
    %slice3A_34 = vector.extract_strided_slice %dot_general3A_23 {offsets = [112, 0], sizes = [16, 2048], strides = [1, 1]} : vector<144x2048xf32> to vector<16x2048xf32>
    %slice3A_35 = vector.extract_strided_slice %dot_general3A_23 {offsets = [128, 0], sizes = [16, 2048], strides = [1, 1]} : vector<144x2048xf32> to vector<16x2048xf32>
    %mul3A_36 = arith.mulf %slice3A_30, %slice3A_30 : vector<16x2048xf32>
    %mul3A_37 = arith.mulf %slice3A_31, %slice3A_31 : vector<16x2048xf32>
    %add3A = arith.addf %mul3A_36, %mul3A_37 : vector<16x2048xf32>
    %mul3A_38 = arith.mulf %slice3A_32, %slice3A_32 : vector<16x2048xf32>
    %add3A_39 = arith.addf %add3A, %mul3A_38 : vector<16x2048xf32>
    %sqrt3A = math.sqrt %add3A_39 : vector<16x2048xf32>
    %max3A = arith.constant 9.99999993E-9 : f32
    %max3A_40 = vector.broadcast %max3A : f32 to vector<16x2048xf32>
    %max3A_41 = arith.maximumf %sqrt3A, %max3A_40 : vector<16x2048xf32>
    %div3A_42 = arith.divf %slice3A_30, %max3A_41 : vector<16x2048xf32>
    %div3A_43 = arith.divf %slice3A_31, %max3A_41 : vector<16x2048xf32>
    %div3A_44 = arith.divf %slice3A_32, %max3A_41 : vector<16x2048xf32>
    %mul3A_45 = arith.mulf %div3A_42, %slice3A_33 : vector<16x2048xf32>
    %mul3A_46 = arith.mulf %div3A_43, %slice3A_34 : vector<16x2048xf32>
    %add3A_47 = arith.addf %mul3A_45, %mul3A_46 : vector<16x2048xf32>
    %mul3A_48 = arith.mulf %div3A_44, %slice3A_35 : vector<16x2048xf32>
    %add3A_49 = arith.addf %add3A_47, %mul3A_48 : vector<16x2048xf32>
    %mul3A_50 = arith.mulf %add3A_49, %div3A_42 : vector<16x2048xf32>
    %sub3A_51 = arith.subf %slice3A_33, %mul3A_50 : vector<16x2048xf32>
    %mul3A_52 = arith.mulf %add3A_49, %div3A_43 : vector<16x2048xf32>
    %sub3A_53 = arith.subf %slice3A_34, %mul3A_52 : vector<16x2048xf32>
    %mul3A_54 = arith.mulf %add3A_49, %div3A_44 : vector<16x2048xf32>
    %sub3A_55 = arith.subf %slice3A_35, %mul3A_54 : vector<16x2048xf32>
    %mul3A_56 = arith.mulf %sub3A_51, %sub3A_51 : vector<16x2048xf32>
    %mul3A_57 = arith.mulf %sub3A_53, %sub3A_53 : vector<16x2048xf32>
    %add3A_58 = arith.addf %mul3A_56, %mul3A_57 : vector<16x2048xf32>
    %mul3A_59 = arith.mulf %sub3A_55, %sub3A_55 : vector<16x2048xf32>
    %add3A_60 = arith.addf %add3A_58, %mul3A_59 : vector<16x2048xf32>
    %sqrt3A_61 = math.sqrt %add3A_60 : vector<16x2048xf32>
    %max3A_62 = arith.constant 9.99999993E-9 : f32
    %max3A_63 = vector.broadcast %max3A_62 : f32 to vector<16x2048xf32>
    %max3A_64 = arith.maximumf %sqrt3A_61, %max3A_63 : vector<16x2048xf32>
    %div3A_65 = arith.divf %sub3A_51, %max3A_64 : vector<16x2048xf32>
    %div3A_66 = arith.divf %sub3A_53, %max3A_64 : vector<16x2048xf32>
    %div3A_67 = arith.divf %sub3A_55, %max3A_64 : vector<16x2048xf32>
    %mul3A_68 = arith.mulf %div3A_43, %div3A_67 : vector<16x2048xf32>
    %mul3A_69 = arith.mulf %div3A_44, %div3A_66 : vector<16x2048xf32>
    %sub3A_70 = arith.subf %mul3A_68, %mul3A_69 : vector<16x2048xf32>
    %mul3A_71 = arith.mulf %div3A_44, %div3A_65 : vector<16x2048xf32>
    %mul3A_72 = arith.mulf %div3A_42, %div3A_67 : vector<16x2048xf32>
    %sub3A_73 = arith.subf %mul3A_71, %mul3A_72 : vector<16x2048xf32>
    %mul3A_74 = arith.mulf %div3A_42, %div3A_66 : vector<16x2048xf32>
    %mul3A_75 = arith.mulf %div3A_43, %div3A_65 : vector<16x2048xf32>
    %sub3A_76 = arith.subf %mul3A_74, %mul3A_75 : vector<16x2048xf32>
    %slice3A_77 = vector.extract_strided_slice %slice3A {offsets = [0, 0], sizes = [16, 2048], strides = [1, 1]} : vector<192x2048xf32> to vector<16x2048xf32>
    %mul3A_78 = arith.mulf %div3A_42, %slice3A_77 : vector<16x2048xf32>
    %slice3A_79 = vector.extract_strided_slice %slice3A {offsets = [64, 0], sizes = [16, 2048], strides = [1, 1]} : vector<192x2048xf32> to vector<16x2048xf32>
    %mul3A_80 = arith.mulf %div3A_65, %slice3A_79 : vector<16x2048xf32>
    %add3A_81 = arith.addf %mul3A_78, %mul3A_80 : vector<16x2048xf32>
    %slice3A_82 = vector.extract_strided_slice %slice3A {offsets = [128, 0], sizes = [16, 2048], strides = [1, 1]} : vector<192x2048xf32> to vector<16x2048xf32>
    %mul3A_83 = arith.mulf %sub3A_70, %slice3A_82 : vector<16x2048xf32>
    %add3A_84 = arith.addf %add3A_81, %mul3A_83 : vector<16x2048xf32>
    %slice3A_85 = vector.extract_strided_slice %slice3A {offsets = [16, 0], sizes = [16, 2048], strides = [1, 1]} : vector<192x2048xf32> to vector<16x2048xf32>
    %mul3A_86 = arith.mulf %div3A_42, %slice3A_85 : vector<16x2048xf32>
    %slice3A_87 = vector.extract_strided_slice %slice3A {offsets = [80, 0], sizes = [16, 2048], strides = [1, 1]} : vector<192x2048xf32> to vector<16x2048xf32>
    %mul3A_88 = arith.mulf %div3A_65, %slice3A_87 : vector<16x2048xf32>
    %add3A_89 = arith.addf %mul3A_86, %mul3A_88 : vector<16x2048xf32>
    %slice3A_90 = vector.extract_strided_slice %slice3A {offsets = [144, 0], sizes = [16, 2048], strides = [1, 1]} : vector<192x2048xf32> to vector<16x2048xf32>
    %mul3A_91 = arith.mulf %sub3A_70, %slice3A_90 : vector<16x2048xf32>
    %add3A_92 = arith.addf %add3A_89, %mul3A_91 : vector<16x2048xf32>
    %slice3A_93 = vector.extract_strided_slice %slice3A {offsets = [32, 0], sizes = [16, 2048], strides = [1, 1]} : vector<192x2048xf32> to vector<16x2048xf32>
    %mul3A_94 = arith.mulf %div3A_42, %slice3A_93 : vector<16x2048xf32>
    %slice3A_95 = vector.extract_strided_slice %slice3A {offsets = [96, 0], sizes = [16, 2048], strides = [1, 1]} : vector<192x2048xf32> to vector<16x2048xf32>
    %mul3A_96 = arith.mulf %div3A_65, %slice3A_95 : vector<16x2048xf32>
    %add3A_97 = arith.addf %mul3A_94, %mul3A_96 : vector<16x2048xf32>
    %slice3A_98 = vector.extract_strided_slice %slice3A {offsets = [160, 0], sizes = [16, 2048], strides = [1, 1]} : vector<192x2048xf32> to vector<16x2048xf32>
    %mul3A_99 = arith.mulf %sub3A_70, %slice3A_98 : vector<16x2048xf32>
    %add3A_100 = arith.addf %add3A_97, %mul3A_99 : vector<16x2048xf32>
    %slice3A_101 = vector.extract_strided_slice %slice3A {offsets = [48, 0], sizes = [16, 2048], strides = [1, 1]} : vector<192x2048xf32> to vector<16x2048xf32>
    %mul3A_102 = arith.mulf %div3A_42, %slice3A_101 : vector<16x2048xf32>
    %slice3A_103 = vector.extract_strided_slice %slice3A {offsets = [112, 0], sizes = [16, 2048], strides = [1, 1]} : vector<192x2048xf32> to vector<16x2048xf32>
    %mul3A_104 = arith.mulf %div3A_65, %slice3A_103 : vector<16x2048xf32>
    %add3A_105 = arith.addf %mul3A_102, %mul3A_104 : vector<16x2048xf32>
    %slice3A_106 = vector.extract_strided_slice %slice3A {offsets = [176, 0], sizes = [16, 2048], strides = [1, 1]} : vector<192x2048xf32> to vector<16x2048xf32>
    %mul3A_107 = arith.mulf %sub3A_70, %slice3A_106 : vector<16x2048xf32>
    %add3A_108 = arith.addf %add3A_105, %mul3A_107 : vector<16x2048xf32>
    %add3A_109 = arith.addf %add3A_108, %slice3A_27 : vector<16x2048xf32>
    %slice3A_110 = vector.extract_strided_slice %slice3A {offsets = [0, 0], sizes = [16, 2048], strides = [1, 1]} : vector<192x2048xf32> to vector<16x2048xf32>
    %mul3A_111 = arith.mulf %div3A_43, %slice3A_110 : vector<16x2048xf32>
    %slice3A_112 = vector.extract_strided_slice %slice3A {offsets = [64, 0], sizes = [16, 2048], strides = [1, 1]} : vector<192x2048xf32> to vector<16x2048xf32>
    %mul3A_113 = arith.mulf %div3A_66, %slice3A_112 : vector<16x2048xf32>
    %add3A_114 = arith.addf %mul3A_111, %mul3A_113 : vector<16x2048xf32>
    %slice3A_115 = vector.extract_strided_slice %slice3A {offsets = [128, 0], sizes = [16, 2048], strides = [1, 1]} : vector<192x2048xf32> to vector<16x2048xf32>
    %mul3A_116 = arith.mulf %sub3A_73, %slice3A_115 : vector<16x2048xf32>
    %add3A_117 = arith.addf %add3A_114, %mul3A_116 : vector<16x2048xf32>
    %slice3A_118 = vector.extract_strided_slice %slice3A {offsets = [16, 0], sizes = [16, 2048], strides = [1, 1]} : vector<192x2048xf32> to vector<16x2048xf32>
    %mul3A_119 = arith.mulf %div3A_43, %slice3A_118 : vector<16x2048xf32>
    %slice3A_120 = vector.extract_strided_slice %slice3A {offsets = [80, 0], sizes = [16, 2048], strides = [1, 1]} : vector<192x2048xf32> to vector<16x2048xf32>
    %mul3A_121 = arith.mulf %div3A_66, %slice3A_120 : vector<16x2048xf32>
    %add3A_122 = arith.addf %mul3A_119, %mul3A_121 : vector<16x2048xf32>
    %slice3A_123 = vector.extract_strided_slice %slice3A {offsets = [144, 0], sizes = [16, 2048], strides = [1, 1]} : vector<192x2048xf32> to vector<16x2048xf32>
    %mul3A_124 = arith.mulf %sub3A_73, %slice3A_123 : vector<16x2048xf32>
    %add3A_125 = arith.addf %add3A_122, %mul3A_124 : vector<16x2048xf32>
    %slice3A_126 = vector.extract_strided_slice %slice3A {offsets = [32, 0], sizes = [16, 2048], strides = [1, 1]} : vector<192x2048xf32> to vector<16x2048xf32>
    %mul3A_127 = arith.mulf %div3A_43, %slice3A_126 : vector<16x2048xf32>
    %slice3A_128 = vector.extract_strided_slice %slice3A {offsets = [96, 0], sizes = [16, 2048], strides = [1, 1]} : vector<192x2048xf32> to vector<16x2048xf32>
    %mul3A_129 = arith.mulf %div3A_66, %slice3A_128 : vector<16x2048xf32>
    %add3A_130 = arith.addf %mul3A_127, %mul3A_129 : vector<16x2048xf32>
    %slice3A_131 = vector.extract_strided_slice %slice3A {offsets = [160, 0], sizes = [16, 2048], strides = [1, 1]} : vector<192x2048xf32> to vector<16x2048xf32>
    %mul3A_132 = arith.mulf %sub3A_73, %slice3A_131 : vector<16x2048xf32>
    %add3A_133 = arith.addf %add3A_130, %mul3A_132 : vector<16x2048xf32>
    %slice3A_134 = vector.extract_strided_slice %slice3A {offsets = [48, 0], sizes = [16, 2048], strides = [1, 1]} : vector<192x2048xf32> to vector<16x2048xf32>
    %mul3A_135 = arith.mulf %div3A_43, %slice3A_134 : vector<16x2048xf32>
    %slice3A_136 = vector.extract_strided_slice %slice3A {offsets = [112, 0], sizes = [16, 2048], strides = [1, 1]} : vector<192x2048xf32> to vector<16x2048xf32>
    %mul3A_137 = arith.mulf %div3A_66, %slice3A_136 : vector<16x2048xf32>
    %add3A_138 = arith.addf %mul3A_135, %mul3A_137 : vector<16x2048xf32>
    %slice3A_139 = vector.extract_strided_slice %slice3A {offsets = [176, 0], sizes = [16, 2048], strides = [1, 1]} : vector<192x2048xf32> to vector<16x2048xf32>
    %mul3A_140 = arith.mulf %sub3A_73, %slice3A_139 : vector<16x2048xf32>
    %add3A_141 = arith.addf %add3A_138, %mul3A_140 : vector<16x2048xf32>
    %add3A_142 = arith.addf %add3A_141, %slice3A_28 : vector<16x2048xf32>
    %slice3A_143 = vector.extract_strided_slice %slice3A {offsets = [0, 0], sizes = [16, 2048], strides = [1, 1]} : vector<192x2048xf32> to vector<16x2048xf32>
    %mul3A_144 = arith.mulf %div3A_44, %slice3A_143 : vector<16x2048xf32>
    %slice3A_145 = vector.extract_strided_slice %slice3A {offsets = [64, 0], sizes = [16, 2048], strides = [1, 1]} : vector<192x2048xf32> to vector<16x2048xf32>
    %mul3A_146 = arith.mulf %div3A_67, %slice3A_145 : vector<16x2048xf32>
    %add3A_147 = arith.addf %mul3A_144, %mul3A_146 : vector<16x2048xf32>
    %slice3A_148 = vector.extract_strided_slice %slice3A {offsets = [128, 0], sizes = [16, 2048], strides = [1, 1]} : vector<192x2048xf32> to vector<16x2048xf32>
    %mul3A_149 = arith.mulf %sub3A_76, %slice3A_148 : vector<16x2048xf32>
    %add3A_150 = arith.addf %add3A_147, %mul3A_149 : vector<16x2048xf32>
    %slice3A_151 = vector.extract_strided_slice %slice3A {offsets = [16, 0], sizes = [16, 2048], strides = [1, 1]} : vector<192x2048xf32> to vector<16x2048xf32>
    %mul3A_152 = arith.mulf %div3A_44, %slice3A_151 : vector<16x2048xf32>
    %slice3A_153 = vector.extract_strided_slice %slice3A {offsets = [80, 0], sizes = [16, 2048], strides = [1, 1]} : vector<192x2048xf32> to vector<16x2048xf32>
    %mul3A_154 = arith.mulf %div3A_67, %slice3A_153 : vector<16x2048xf32>
    %add3A_155 = arith.addf %mul3A_152, %mul3A_154 : vector<16x2048xf32>
    %slice3A_156 = vector.extract_strided_slice %slice3A {offsets = [144, 0], sizes = [16, 2048], strides = [1, 1]} : vector<192x2048xf32> to vector<16x2048xf32>
    %mul3A_157 = arith.mulf %sub3A_76, %slice3A_156 : vector<16x2048xf32>
    %add3A_158 = arith.addf %add3A_155, %mul3A_157 : vector<16x2048xf32>
    %slice3A_159 = vector.extract_strided_slice %slice3A {offsets = [32, 0], sizes = [16, 2048], strides = [1, 1]} : vector<192x2048xf32> to vector<16x2048xf32>
    %mul3A_160 = arith.mulf %div3A_44, %slice3A_159 : vector<16x2048xf32>
    %slice3A_161 = vector.extract_strided_slice %slice3A {offsets = [96, 0], sizes = [16, 2048], strides = [1, 1]} : vector<192x2048xf32> to vector<16x2048xf32>
    %mul3A_162 = arith.mulf %div3A_67, %slice3A_161 : vector<16x2048xf32>
    %add3A_163 = arith.addf %mul3A_160, %mul3A_162 : vector<16x2048xf32>
    %slice3A_164 = vector.extract_strided_slice %slice3A {offsets = [160, 0], sizes = [16, 2048], strides = [1, 1]} : vector<192x2048xf32> to vector<16x2048xf32>
    %mul3A_165 = arith.mulf %sub3A_76, %slice3A_164 : vector<16x2048xf32>
    %add3A_166 = arith.addf %add3A_163, %mul3A_165 : vector<16x2048xf32>
    %slice3A_167 = vector.extract_strided_slice %slice3A {offsets = [48, 0], sizes = [16, 2048], strides = [1, 1]} : vector<192x2048xf32> to vector<16x2048xf32>
    %mul3A_168 = arith.mulf %div3A_44, %slice3A_167 : vector<16x2048xf32>
    %slice3A_169 = vector.extract_strided_slice %slice3A {offsets = [112, 0], sizes = [16, 2048], strides = [1, 1]} : vector<192x2048xf32> to vector<16x2048xf32>
    %mul3A_170 = arith.mulf %div3A_67, %slice3A_169 : vector<16x2048xf32>
    %add3A_171 = arith.addf %mul3A_168, %mul3A_170 : vector<16x2048xf32>
    %slice3A_172 = vector.extract_strided_slice %slice3A {offsets = [176, 0], sizes = [16, 2048], strides = [1, 1]} : vector<192x2048xf32> to vector<16x2048xf32>
    %mul3A_173 = arith.mulf %sub3A_76, %slice3A_172 : vector<16x2048xf32>
    %add3A_174 = arith.addf %add3A_171, %mul3A_173 : vector<16x2048xf32>
    %add3A_175 = arith.addf %add3A_174, %slice3A_29 : vector<16x2048xf32>
    %stack3A = vector.shape_cast %add3A_84 : vector<16x2048xf32> to vector<16x1x2048xf32>
    %stack3A_176 = vector.shape_cast %add3A_92 : vector<16x2048xf32> to vector<16x1x2048xf32>
    %stack3A_177 = vector.shape_cast %add3A_100 : vector<16x2048xf32> to vector<16x1x2048xf32>
    %stack3A_178 = vector.shape_cast %add3A_109 : vector<16x2048xf32> to vector<16x1x2048xf32>
    %stack3A_179 = vector.shape_cast %add3A_117 : vector<16x2048xf32> to vector<16x1x2048xf32>
    %stack3A_180 = vector.shape_cast %add3A_125 : vector<16x2048xf32> to vector<16x1x2048xf32>
    %stack3A_181 = vector.shape_cast %add3A_133 : vector<16x2048xf32> to vector<16x1x2048xf32>
    %stack3A_182 = vector.shape_cast %add3A_142 : vector<16x2048xf32> to vector<16x1x2048xf32>
    %stack3A_183 = vector.shape_cast %add3A_150 : vector<16x2048xf32> to vector<16x1x2048xf32>
    %stack3A_184 = vector.shape_cast %add3A_158 : vector<16x2048xf32> to vector<16x1x2048xf32>
    %stack3A_185 = vector.shape_cast %add3A_166 : vector<16x2048xf32> to vector<16x1x2048xf32>
    %stack3A_186 = vector.shape_cast %add3A_175 : vector<16x2048xf32> to vector<16x1x2048xf32>
    %stack3A_187 = tpu.concatenate %stack3A, %stack3A_176, %stack3A_177, %stack3A_178, %stack3A_179, %stack3A_180, %stack3A_181, %stack3A_182, %stack3A_183, %stack3A_184, %stack3A_185, %stack3A_186 in 1 : vector<16x1x2048xf32>, vector<16x1x2048xf32>, vector<16x1x2048xf32>, vector<16x1x2048xf32>, vector<16x1x2048xf32>, vector<16x1x2048xf32>, vector<16x1x2048xf32>, vector<16x1x2048xf32>, vector<16x1x2048xf32>, vector<16x1x2048xf32>, vector<16x1x2048xf32>, vector<16x1x2048xf32> -> vector<16x12x2048xf32>
    %reshape3A_188 = vector.shape_cast %stack3A_187 : vector<16x12x2048xf32> to vector<192x2048xf32>
    %transpose3A_189 = tpu.transpose %reshape3A_188, [1, 0] : vector<192x2048xf32> -> vector<2048x192xf32>
    %swap3A = arith.constant 0 : index
    %swap3A_190 = arith.constant 0 : index
    %swap3A_191 = vector.load %arg5[%swap3A, %swap3A_190] : memref<2048x192xf32, #tpu.memory_space<vmem>>, vector<2048x192xf32>
    tpu.vector_store %arg5[%swap3A, %swap3A_190], %transpose3A_189 {strides = array<i32>} : memref<2048x192xf32, #tpu.memory_space<vmem>>, vector<2048x192xf32>,
    return
  }
  func.func @transform_0(%arg0: i32) -> (i32, i32) {
    %c0_i32 = arith.constant 0 : i32
    %c0_i32_0 = arith.constant 0 : i32
    return %c0_i32, %arg0 : i32, i32
  }
  func.func @transform_1(%arg0: i32) -> (i32, i32) {
    %c0_i32 = arith.constant 0 : i32
    %c0_i32_0 = arith.constant 0 : i32
    return %c0_i32, %arg0 : i32, i32
  }
  func.func @transform_2(%arg0: i32) -> (i32, i32) {
    %c0_i32 = arith.constant 0 : i32
    %c0_i32_0 = arith.constant 0 : i32
    %c0_i32_1 = arith.constant 0 : i32
    return %c0_i32, %c0_i32_0 : i32, i32
  }
  func.func @transform_3(%arg0: i32) -> (i32, i32) {
    %c0_i32 = arith.constant 0 : i32
    %c0_i32_0 = arith.constant 0 : i32
    return %arg0, %c0_i32 : i32, i32
  }
  func.func @transform_4(%arg0: i32) -> (i32, i32) {
    %c0_i32 = arith.constant 0 : i32
    %c0_i32_0 = arith.constant 0 : i32
    return %arg0, %c0_i32 : i32, i32
  }
}

</mosaic_0001>

<sc_bundles>
// kernel: kernel.5.cloned.1.call-start
scs
__scs_entry_jumppad:
0x0: {  	(pc) =	sbr.rel $0x88, $3  }
0x1: {  	(tag) =	ssettag $0x0;
	lr =	simm.s32 $0x1  }
0x2: {  	[smem:$0x3F99] =	sst lr;
	_ =	strace $0xD0000000  }
0x3: {  	_ = 	snop  }
0x4: {  	_ = 	snop  }
0x5: {  	_ = 	snop  }
0x6: {  	_ = 	snop  }
0x7: {  	_ = 	snop  }
__scs_overlays_trampoline_lowered:
0x8: {  	[smem:$0x3FA8] =	sst s0  }
0x9: {  	[smem:$0x3FA9] =	sst s1  }
0xa: {  	[smem:$0x3FAA] =	sst s2  }
0xb: {  	[smem:$0x3FAB] =	sst s3  }
0xc: {  	[smem:$0x3FAC] =	sst s4  }
0xd: {  	[smem:$0x3FAD] =	sst s5  }
0xe: {  	[smem:$0x3FAE] =	sst s6  }
0xf: {  	[smem:$0x3FAF] =	sst s7  }
0x10: {  	[smem:$0x3FB0] =	sst s8  }
0x11: {  	[smem:$0x3FB1] =	sst s9;
	s0 =	simm.s32 @!p0 $0x0  }
0x12: {  	s1 =	sld [smem:$0x3F97];
	s0 =	simm.s32 @p0 $0x1  }
0x13: {  	[smem:$0x3FB2] =	sst s0;
	s0 =	simm.s32 @!p1 $0x0  }
0x14: {  	s2 =	sld [smem:$0x3F96];
	s0 =	simm.s32 @p1 $0x1  }
0x15: {  	[smem:$0x3FB3] =	sst s0;
	s0 =	simm.s32 @!p2 $0x0  }
0x16: {  	s3 =	sld [smem:$0x3FDB];
	s0 =	simm.s32 @p2 $0x1  }
0x17: {  	s4 =	simm.s32 $0x1BF5;
	[smem:$0x3FB5] =	sst s0  }
0x18: {  	s0 =	sld [smem:$0x3F98];
	_ =	swait.ge [sflag:s4], $0x0  }
0x19: {  	s7 =	sld [smem:$0x3F99]  }
0x1a: {  	s8 =	sadd.s32 $0xFFFFE003, lr  }
0x1b: {  	s9 =	sadd.s32 $0xFFFFFEF7, lr;
	s5 =	simm.s32 $0xFFFFFFFF;
	p2 =	slt.u32 s8, $0xFFFFF086  }
0x1c: {  	p1 =	slt.u32 s9, $0xF7A;
	s5 =	simm.s32 @!p2 $0x0  }
0x1d: {  	s5 =	simm.s32 @p1 $0x1;
	p0 =	seq.s32 s7, s2  }
0x1e: {  	s7 =	smul.u32 @!p0 $0xF7A, s2;
	p2 =	seq.s32 @!p0 s5, $0x0  }
0x1f: {  	s9 =	smul.u32 $0xF7A, s1;
	s8 =	simm.s32 @!p0 $0x1BF5;
	p2 =	por !p2, p0  }
0x20: {  	[sflag:s8] =	ssyncset.s32 @!p0 $0xFFFFF086;
	s6 =	sadd.s32 @!p0 s3, s7;
	s7 =	simm.s32 @!p0 $0x108  }
0x21: {  	s3 =	sadd.s32 s3, s9;
	s6 =	sadd.s32 @!p0 $0x88, s6;
	s7 =	simm.s32 @p2 $0x1082  }
0x22: {  	[simem:s7], [sflag:s8] =	dma.local @!p0 [hbm:s6], $0xF7A  }
0x23: {  	s9 =	sor.u32 $0xD0000000, s2;
	s6 =	simm.s32 $0x108;
	_ =	swait.ge @!p0 [sflag:s8], $0x0  }
0x24: {  	s3 =	sadd.s32 $0x88, s3;
	s6 =	simm.s32 @!p1 $0x1082;
	[sflag:s4] =	ssyncset.s32 $0xFFFFF086  }
0x25: {  	[simem:s6], [sflag:s4] =	dma.local [hbm:s3], $0xF7A  }
0x26: {  	[smem:$0x3F99] =	sst s1;
	(tag) =	ssettag s2;
	_ =	strace s9  }
0x27: {  	s1 =	sld [smem:$0x3FA9]  }
0x28: {  	s2 =	sld [smem:$0x3FAA]  }
0x29: {  	s4 =	sld [smem:$0x3FAC]  }
0x2a: {  	p0 =	seq.s32 s5, $0x0;
	s5 =	sld [smem:$0x3FAD]  }
0x2b: {  	s6 =	sld [smem:$0x3FAE]  }
0x2c: {  	s7 =	sld [smem:$0x3FAF]  }
0x2d: {  	s3 =	simm.s32 $0x108;
	s8 =	sld [smem:$0x3FB0]  }
0x2e: {  	s3 =	simm.s32 @!p0 $0x1082;
	s9 =	sld [smem:$0x3FB1]  }
0x2f: {  	lr =	sadd.s32 s0, s3;
	s0 =	sld [smem:$0x3FA8]  }
0x30: {  	s3 =	sld [smem:$0x3FAB]  }
0x31: {  	[smem:$0x3FB4] =	sst s10  }
0x32: {  	s10 =	sld [smem:$0x3FB2];
	_ =	sdelay $0x3  }
0x33: {  	p0 =	seq.s32 s10, $0x1;
	s10 =	sld [smem:$0x3FB4];
	_ =	sdelay $0x3  }
0x34: {  	[smem:$0x3FB4] =	sst s10  }
0x35: {  	s10 =	sld [smem:$0x3FB3];
	_ =	sdelay $0x3  }
0x36: {  	p1 =	seq.s32 s10, $0x1;
	s10 =	sld [smem:$0x3FB4];
	_ =	sdelay $0x3  }
0x37: {  	[smem:$0x3FB4] =	sst s10  }
0x38: {  	s10 =	sld [smem:$0x3FB5]  }
0x39: {  	_ = 	snop;
	(pc) =	sbr.ind lr, $3  }
0x3a: {  	_ = 	snop  }
0x3b: {  	_ = 	snop  }
0x3c: {  	p2 =	seq.s32 s10, $0x1;
	s10 =	sld [smem:$0x3FB4]  }
0x3d: {  	_ =	shalt  }
0x3e: {  	_ =	shalt  }
0x3f: {  	_ =	shalt  }
0x40: {  	_ =	shalt  }
0x41: {  	_ =	shalt  }
0x42: {  	_ =	shalt  }
0x43: {  	_ =	shalt  }
0x44: {  	_ =	shalt  }
0x45: {  	_ =	shalt  }
0x46: {  	_ =	shalt  }
0x47: {  	_ =	shalt  }
0x48: {  	_ =	shalt  }
0x49: {  	_ =	shalt  }
0x4a: {  	_ =	shalt  }
0x4b: {  	_ =	shalt  }
0x4c: {  	_ =	shalt  }
0x4d: {  	_ =	shalt  }
0x4e: {  	_ =	shalt  }
0x4f: {  	_ =	shalt  }
0x50: {  	_ =	shalt  }
0x51: {  	_ =	shalt  }
0x52: {  	_ =	shalt  }
0x53: {  	_ =	shalt  }
0x54: {  	_ =	shalt  }
0x55: {  	_ =	shalt  }
0x56: {  	_ =	shalt  }
0x57: {  	_ =	shalt  }
0x58: {  	_ =	shalt  }
0x59: {  	_ =	shalt  }
0x5a: {  	_ =	shalt  }
0x5b: {  	_ =	shalt  }
0x5c: {  	_ =	shalt  }
0x5d: {  	_ =	shalt  }
0x5e: {  	_ =	shalt  }
0x5f: {  	_ =	shalt  }
0x60: {  	_ =	shalt  }
0x61: {  	_ =	shalt  }
0x62: {  	_ =	shalt  }
0x63: {  	_ =	shalt  }
0x64: {  	_ =	shalt  }
0x65: {  	_ =	shalt  }
0x66: {  	_ =	shalt  }
0x67: {  	_ =	shalt  }
0x68: {  	_ =	shalt  }
0x69: {  	_ =	shalt  }
0x6a: {  	_ =	shalt  }
0x6b: {  	_ =	shalt  }
0x6c: {  	_ =	shalt  }
0x6d: {  	_ =	shalt  }
0x6e: {  	_ =	shalt  }
0x6f: {  	_ =	shalt  }
0x70: {  	_ =	shalt  }
0x71: {  	_ =	shalt  }
0x72: {  	_ =	shalt  }
0x73: {  	_ =	shalt  }
0x74: {  	_ =	shalt  }
0x75: {  	_ =	shalt  }
0x76: {  	_ =	shalt  }
0x77: {  	_ =	shalt  }
0x78: {  	_ =	shalt  }
0x79: {  	_ =	shalt  }
0x7a: {  	_ =	shalt  }
0x7b: {  	_ =	shalt  }
0x7c: {  	_ =	shalt  }
0x7d: {  	_ =	shalt  }
0x7e: {  	_ =	shalt  }
0x7f: {  	_ =	shalt  }
0x80: {  	_ =	shalt  }
0x81: {  	_ =	shalt  }
0x82: {  	_ =	shalt  }
0x83: {  	_ =	shalt  }
0x84: {  	_ =	shalt  }
0x85: {  	_ =	shalt  }
0x86: {  	_ =	shalt  }
0x87: {  	_ =	shalt  }
.Lfunc_end0:
.L_simem_size_0:
called_computation_lowered:
.L_overlay_start_0:
0x88: {  	s2 =	sld [smem:$0x3FD9]  }
0x89: {  	s3 =	sld [smem:$0x3FFE];
	_ =	sdelay $0x1  }
0x8a: {  	s1 =	srdreg.scid  }
0x8b: {  	s0 =	sand.u32 $0x1, s1  }
0x8c: {  	s17 =	sshll.u32 s0, $0xA;
	s2 =	sadd.s32 s3, s2  }
0x8d: {  	s2 =	sadd.s32 s2, s17  }
0x8e: {  	[smem:$0x3FC0] =	sst s2  }
0x8f: {  	_ = 	snop  }
0x90: {  	s2 =	sld [smem:$0x3FD0];
	(tm) =	ssettm $0x1  }
0x91: {  	s18 =	sld [smem:$0x3FFB];
	_ =	sdelay $0x3  }
0x92: {  	_ =	strace s18  }
0x93: {  	s3 =	sld [smem:$0x3FFC];
	_ =	sdelay $0x3  }
0x94: {  	_ =	strace s3  }
0x95: {  	s3 =	sld [smem:$0x3FFD];
	_ =	sdelay $0x3  }
0x96: {  	_ =	strace s3  }
0x97: {  	_ =	strace $0x8FFFFFFF  }
0x98: {  	s19 =	sld [smem:$0x3FDB];
	_ =	sdelay $0x1  }
0x99: {  	s4 =	simm.s32 $_scs_section_size  }
0x9a: {  	s5 =	simm.s32 $_size__tile_overlayer_lowered;
	s6 =	simm.s32 $_tile_overlayer_lowered  }
0x9b: {  	s22 =	simm.s32 $0x1BFF;
	s21 =	sshll.u32 s6, $0x1;
	s3 =	sadd.s32 s4, s19  }
0x9c: {  	s7 =	simm.s32 $0x0;
	s20 =	sshll.u32 s5, $0x1;
	s5 =	sadd.s32 s21, s3  }
0x9d: {  	[timem:s7], [sflag:s22] =	dma.local [hbm:s5], s20  }
0x9e: {  	_ =	swait.ge [sflag:s22], s20  }
0x9f: {  	s4 =	ssub.s32 $0x0, s20;
	[sflag:s22] =	ssyncset.done $0x0  }
0xa0: {  	[sflag:s22] =	ssyncadd.s32 s4;
	_ =	sdelay $0x1  }
0xa1: {  	s23 =	simm.s32 $0x1B8B  }
0xa2: {  	_ =	swait.ge [sflag:s23], $0x1  }
0xa3: {  	[sflag:s23] =	ssyncset.done $0x0  }
0xa4: {  	s25 =	simm.s32 $0x1B8E;
	s24 =	sld [smem:$0x3FFE];
	[sflag:s23] =	ssyncadd.s32 $0xFFFFFFFF  }
0xa5: {  	s26 =	simm.s32 $execute0_lowered;
	[smem:$0x3FD2] =	sst s25  }
0xa6: {  	s5 =	sshll.u32 s26, $0x1;
	_ =	strace $0x80000046;
	[dreg:$0x1] =	wrdreg $0xFFFFFFFF  }
0xa7: {  	s28 =	simm.s32 $_size_execute0_lowered;
	s3 =	sadd.s32 s3, s5;
	[dreg:$0x0] =	wrdreg $0x0  }
0xa8: {  	s5 =	sshll.u32 s28, $0x1;
	[dreg:$0x2] =	wrdreg s3  }
0xa9: {  	[dreg:$0x3] =	wrdreg s5  }
0xaa: {  	[dreg:$0x4] =	wrdreg $0xC0  }
0xab: {  	_ =	task [dreg:s7], $0x5FFFF  }
0xac: {  	[dreg:$0x1] =	wrdreg $0xFFFFFFFF  }
0xad: {  	[dreg:$0x0] =	wrdreg $0x60  }
0xae: {  	[dreg:$0x2] =	wrdreg s24  }
0xaf: {  	[dreg:$0x3] =	wrdreg s2  }
0xb0: {  	[dreg:$0x4] =	wrdreg $0x9  }
0xb1: {  	_ =	task.clear_ibuf [dreg:s7], $0x5FFFF;
	_ =	strace $0x90000046  }
0xb2: {  	s29 =	simm.s32 $0x9;
	_ =	strace $0x80000048  }
0xb3: {  	_ =	swait.ge [sflag:s29], $0x1  }
0xb4: {  	[sflag:s29] =	ssyncadd.s32 $0xFFFFFFFF  }
0xb5: {  	_ =	strace $0x90000048  }
0xb6: {  	_ =	sfence  }
0xb7: {  	s30 =	sld [smem:$0x0];
	_ =	sdelay $0x2  }
0xb8: {  	s31 =	sshll.u32 s1, $0xD;
	s1 =	sshrl.u32 s1, $0x2  }
0xb9: {  	s3 =	sand.u32 $0x4000, s31;
	s1 =	sadd.s32 s1, s30  }
0xba: {  	s0 =	sor.u32 s3, s0;
	s1 =	sshll.u32 s1, $0x11  }
0xbb: {  	s0 =	sor.u32 s1, s0  }
0xbc: {  	s0 =	sadd.s32 $0x8F2B, s0  }
0xbd: {  	[sflag:s0] =	ssyncadd.remote.s32 $0x1  }
0xbe: {  	_ =	sfence.sel $0xFFFF  }
0xbf: {  	[dreg:$0x0] =	wrdreg $0xFFFFFFFF;
	(pc) =	sbr.abs _section_cstart, $3  }
0xc0: {  	[dreg:$0x1] =	wrdreg $0xFFFFFFFF  }
0xc1: {  	_ =	task.clear_ibuf [dreg:s7], $0x2FFFF;
	_ =	strace $0x9FFFFFFF  }
0xc2: {  	(tm) =	ssettm $0x7FFFFFFF  }
0xc3: {  	_ =	shalt  }
tec
execute0_lowered:
.L_overlay_start_1:
0x0: {  	(tag) =	ssettag $0x1  }
0x1: {  	s0 =	rddreg [dreg:$0x0];
	s1 =	srdreg.scid  }
0x2: {  	s2 =	stileid.u32;
	s3 =	rddreg [dreg:$0x1];
	s20 =	simm.s32 $0x1  }
0x3: {  	s22 =	simm.s32 $0x980;
	s23 =	simm.s32 $0x1180;
	s24 =	simm.s32 $0x1980  }
0x4: {  	s28 =	simm.s32 $0x3180;
	s29 =	simm.s32 $0x3980;
	s30 =	simm.s32 $0x4180  }
0x5: {  	s31 =	simm.s32 $0x4980;
	s9 =	simm.s32 $0x7180;
	s10 =	simm.s32 $0x7980  }
0x6: {  	s11 =	simm.s32 $0x8180;
	s12 =	simm.s32 $0x8980;
	s13 =	simm.s32 $0x9180  }
0x7: {  	s14 =	simm.s32 $0x9980;
	s15 =	simm.s32 $0xA180;
	s16 =	simm.s32 $0xA980  }
0x8: {  	s17 =	simm.s32 $0xB180;
	s18 =	simm.s32 $0xB980;
	s19 =	simm.s32 $0xC180  }
0x9: {  	s1 =	sand.u32 $0x1, s1;
	s4 =	sshll.u32 s2, $0x1;
	s2 =	simm.s32 $0x0  }
0xa: {  	s6 =	sadd.s32 $0x1000, s0;
	s4 =	sor.u32 s1, s4;
	s1 =	ssub.s32 $0x2, s1  }
0xb: {  	[smem:$0x7FF] =	sst s2;
	s5 =	smul.u32 $0x280, s4;
	s8 =	sshrl.u32 s1, $0x1  }
0xc: {  	_ =	strace $0x80000047;
	s4 =	smul.u32 $0x5000, s4;
	s1 =	ssub.s32 s1, s8  }
0xd: {  	s8 =	simm.s32 $0x6980;
	s7 =	sshrl.u32 s5, $0x3;
	s5 =	sadd.s32 $0x140, s5  }
0xe: {  	s4 =	sadd.s32 s6, s4;
	s7 =	sadd.s32 s3, s7;
	s25 =	sshrl.u32 s5, $0x3  }
0xf: {  	[dreg:$0x4] =	wrdreg s4;
	s26 =	sshll.u32 s5, $0x5;
	s5 =	simm.s32 $0x2  }
0x10: {  	[dreg:$0x3] =	wrdreg s7;
	s3 =	sadd.s32 s3, s25;
	s4 =	sadd.s32 s6, s26  }
0x11: {  	v2 =	vlaneseq.u32;
	s25 =	simm.s32 $0x2180;
	s26 =	simm.s32 $0x2980;
	s7 =	simm.s32 $0x6180  }
0x12: {  	vm0 =	vmmov $0xffff;
	v1 =	vshrl.u32 v2, $0x3;
	s6 =	simm.s32 $0xC980;
	[dreg:$0x5] =	wrdreg s3;
	s3 =	sadd.s32 $0xC00, s0  }
0x13: {  	v0 =	vand.u32 $0x7, v2;
	v2 =	vor.u32 $0x8, v2;
	v1 =	vmul.u32 $0x8, v1;
	[dreg:$0x6] =	wrdreg s4;
	s4 =	smax.u32 s1, $0x1;
	s1 =	simm.s32 $0x5180  }
.LBB2_1:
0x14: {  	s21 =	rddreg [dreg:$0x3]  }
0x15: {  	[tilespmem:s2], [sflag:$0x2] =	stream.linear.gather [hbm4b:s21+s2], $0x140, $0x38;
	[tilespmem:$0x14180] =	vst v63  }
0x16: {  	_ =	swait.ge [sflag:s5], $0x140  }
0x17: {  	[sflag:s5] =	ssyncset.done $0x0  }
0x18: {  	[sflag:s5] =	ssyncadd.s32 $0xFFFFFEC0  }
0x19: {  	v3 =	vld [tilespmem:$0x0];
	_ =	sdelay $0x4  }
0x1a: {  	v4 =	vshll.u32 v3, $0x1  }
0x1b: {  	v3 =	vand.u32 $0x7, v3;
	v4 =	vand.u32 $0xFFFFFFF0, v4  }
0x1c: {  	v3 =	vor.u32 v3, v4  }
0x1d: {  	v4 =	vperm.xlane v3, v0;
	_ =	sdelay $0x1  }
0x1e: {  	v3 =	vperm.xlane v3, v2;
	v4 =	vadd.s32 v1, v4;
	_ =	sdelay $0x1  }
0x1f: {  	v3 =	vadd.s32 v1, v3;
	_ =	sdelay $0x1  }
0x20: {  	s0 =	simm.s32 $0x180  }
0x21: {  	[tilespmem:s0], [sflag:$0x1] =	stream.indirect_vreg.gather [hbm4b:s3+s2], $0x80, v4, vm0, $0xb8;
	[tilespmem:$0x14180] =	vst v63  }
0x22: {  	_ = 	snop  }
0x23: {  	[tilespmem:s22], [sflag:$0x1] =	stream.indirect_vreg.gather [hbm4b:s3+s2], $0x80, v3, vm0, $0xb8;
	[tilespmem:$0x14180] =	vst v63  }
0x24: {  	v3 =	vld [tilespmem:$0x10];
	_ =	sdelay $0x4  }
0x25: {  	v25 =	vshll.u32 v3, $0x1  }
0x26: {  	v3 =	vand.u32 $0x7, v3;
	v4 =	vand.u32 $0xFFFFFFF0, v25  }
0x27: {  	v3 =	vor.u32 v3, v4  }
0x28: {  	v4 =	vperm.xlane v3, v0;
	_ =	sdelay $0x1  }
0x29: {  	v3 =	vperm.xlane v3, v2;
	v4 =	vadd.s32 v1, v4;
	_ =	sdelay $0x1  }
0x2a: {  	v3 =	vadd.s32 v1, v3;
	_ =	sdelay $0x2  }
0x2b: {  	[tilespmem:s23], [sflag:$0x1] =	stream.indirect_vreg.gather [hbm4b:s3+s2], $0x80, v4, vm0, $0xb8;
	[tilespmem:$0x14180] =	vst v63  }
0x2c: {  	_ = 	snop  }
0x2d: {  	[tilespmem:s24], [sflag:$0x1] =	stream.indirect_vreg.gather [hbm4b:s3+s2], $0x80, v3, vm0, $0xb8;
	[tilespmem:$0x14180] =	vst v63  }
0x2e: {  	v3 =	vld [tilespmem:$0x20];
	_ =	sdelay $0x4  }
0x2f: {  	v26 =	vshll.u32 v3, $0x1  }
0x30: {  	v3 =	vand.u32 $0x7, v3;
	v4 =	vand.u32 $0xFFFFFFF0, v26  }
0x31: {  	v3 =	vor.u32 v3, v4  }
0x32: {  	v4 =	vperm.xlane v3, v0;
	_ =	sdelay $0x1  }
0x33: {  	v3 =	vperm.xlane v3, v2;
	v4 =	vadd.s32 v1, v4;
	_ =	sdelay $0x1  }
0x34: {  	v3 =	vadd.s32 v1, v3;
	_ =	sdelay $0x2  }
0x35: {  	[tilespmem:s25], [sflag:$0x1] =	stream.indirect_vreg.gather [hbm4b:s3+s2], $0x80, v4, vm0, $0xb8;
	[tilespmem:$0x14180] =	vst v63  }
0x36: {  	_ = 	snop  }
0x37: {  	[tilespmem:s26], [sflag:$0x1] =	stream.indirect_vreg.gather [hbm4b:s3+s2], $0x80, v3, vm0, $0xb8;
	[tilespmem:$0x14180] =	vst v63  }
0x38: {  	v3 =	vld [tilespmem:$0x30];
	_ =	sdelay $0x4  }
0x39: {  	v27 =	vshll.u32 v3, $0x1  }
0x3a: {  	v3 =	vand.u32 $0x7, v3;
	v4 =	vand.u32 $0xFFFFFFF0, v27  }
0x3b: {  	v3 =	vor.u32 v3, v4  }
0x3c: {  	v4 =	vperm.xlane v3, v0;
	_ =	sdelay $0x1  }
0x3d: {  	v3 =	vperm.xlane v3, v2;
	v4 =	vadd.s32 v1, v4;
	_ =	sdelay $0x1  }
0x3e: {  	v3 =	vadd.s32 v1, v3;
	_ =	sdelay $0x2  }
0x3f: {  	[tilespmem:s28], [sflag:$0x1] =	stream.indirect_vreg.gather [hbm4b:s3+s2], $0x80, v4, vm0, $0xb8;
	[tilespmem:$0x14180] =	vst v63  }
0x40: {  	_ = 	snop  }
0x41: {  	[tilespmem:s29], [sflag:$0x1] =	stream.indirect_vreg.gather [hbm4b:s3+s2], $0x80, v3, vm0, $0xb8;
	[tilespmem:$0x14180] =	vst v63  }
0x42: {  	v3 =	vld [tilespmem:$0x40];
	_ =	sdelay $0x4  }
0x43: {  	v28 =	vshll.u32 v3, $0x1  }
0x44: {  	v3 =	vand.u32 $0x7, v3;
	v4 =	vand.u32 $0xFFFFFFF0, v28  }
0x45: {  	v3 =	vor.u32 v3, v4  }
0x46: {  	v4 =	vperm.xlane v3, v0;
	_ =	sdelay $0x1  }
0x47: {  	v3 =	vperm.xlane v3, v2;
	v4 =	vadd.s32 v1, v4;
	_ =	sdelay $0x1  }
0x48: {  	v3 =	vadd.s32 v1, v3;
	_ =	sdelay $0x2  }
0x49: {  	[tilespmem:s30], [sflag:$0x1] =	stream.indirect_vreg.gather [hbm4b:s3+s2], $0x80, v4, vm0, $0xb8;
	[tilespmem:$0x14180] =	vst v63  }
0x4a: {  	_ = 	snop  }
0x4b: {  	[tilespmem:s31], [sflag:$0x1] =	stream.indirect_vreg.gather [hbm4b:s3+s2], $0x80, v3, vm0, $0xb8;
	[tilespmem:$0x14180] =	vst v63  }
0x4c: {  	v3 =	vld [tilespmem:$0x50];
	_ =	sdelay $0x4  }
0x4d: {  	v29 =	vshll.u32 v3, $0x1  }
0x4e: {  	v3 =	vand.u32 $0x7, v3;
	v4 =	vand.u32 $0xFFFFFFF0, v29  }
0x4f: {  	v3 =	vor.u32 v3, v4  }
0x50: {  	v4 =	vperm.xlane v3, v0;
	_ =	sdelay $0x1  }
0x51: {  	v3 =	vperm.xlane v3, v2;
	v4 =	vadd.s32 v1, v4;
	_ =	sdelay $0x1  }
0x52: {  	v3 =	vadd.s32 v1, v3;
	_ =	sdelay $0x2  }
0x53: {  	[tilespmem:s1], [sflag:$0x1] =	stream.indirect_vreg.gather [hbm4b:s3+s2], $0x80, v4, vm0, $0xb8;
	[tilespmem:$0x14180] =	vst v63  }
0x54: {  	s21 =	simm.s32 $0x5980  }
0x55: {  	[tilespmem:s21], [sflag:$0x1] =	stream.indirect_vreg.gather [hbm4b:s3+s2], $0x80, v3, vm0, $0xb8;
	[tilespmem:$0x14180] =	vst v63  }
0x56: {  	v3 =	vld [tilespmem:$0x60];
	_ =	sdelay $0x4  }
0x57: {  	v30 =	vshll.u32 v3, $0x1  }
0x58: {  	v3 =	vand.u32 $0x7, v3;
	v4 =	vand.u32 $0xFFFFFFF0, v30  }
0x59: {  	v3 =	vor.u32 v3, v4  }
0x5a: {  	v4 =	vperm.xlane v3, v0;
	_ =	sdelay $0x1  }
0x5b: {  	v3 =	vperm.xlane v3, v2;
	v4 =	vadd.s32 v1, v4;
	_ =	sdelay $0x1  }
0x5c: {  	v3 =	vadd.s32 v1, v3;
	_ =	sdelay $0x2  }
0x5d: {  	[tilespmem:s7], [sflag:$0x1] =	stream.indirect_vreg.gather [hbm4b:s3+s2], $0x80, v4, vm0, $0xb8;
	[tilespmem:$0x14180] =	vst v63  }
0x5e: {  	_ = 	snop  }
0x5f: {  	[tilespmem:s8], [sflag:$0x1] =	stream.indirect_vreg.gather [hbm4b:s3+s2], $0x80, v3, vm0, $0xb8;
	[tilespmem:$0x14180] =	vst v63  }
0x60: {  	v3 =	vld [tilespmem:$0x70];
	_ =	sdelay $0x4  }
0x61: {  	v31 =	vshll.u32 v3, $0x1  }
0x62: {  	v3 =	vand.u32 $0x7, v3;
	v4 =	vand.u32 $0xFFFFFFF0, v31  }
0x63: {  	v3 =	vor.u32 v3, v4  }
0x64: {  	v4 =	vperm.xlane v3, v0;
	_ =	sdelay $0x1  }
0x65: {  	v3 =	vperm.xlane v3, v2;
	v4 =	vadd.s32 v1, v4;
	_ =	sdelay $0x1  }
0x66: {  	v3 =	vadd.s32 v1, v3;
	_ =	sdelay $0x2  }
0x67: {  	[tilespmem:s9], [sflag:$0x1] =	stream.indirect_vreg.gather [hbm4b:s3+s2], $0x80, v4, vm0, $0xb8;
	[tilespmem:$0x14180] =	vst v63  }
0x68: {  	_ = 	snop  }
0x69: {  	[tilespmem:s10], [sflag:$0x1] =	stream.indirect_vreg.gather [hbm4b:s3+s2], $0x80, v3, vm0, $0xb8;
	[tilespmem:$0x14180] =	vst v63  }
0x6a: {  	v3 =	vld [tilespmem:$0x80];
	_ =	sdelay $0x4  }
0x6b: {  	v32 =	vshll.u32 v3, $0x1  }
0x6c: {  	v3 =	vand.u32 $0x7, v3;
	v4 =	vand.u32 $0xFFFFFFF0, v32  }
0x6d: {  	v3 =	vor.u32 v3, v4  }
0x6e: {  	v4 =	vperm.xlane v3, v0;
	_ =	sdelay $0x1  }
0x6f: {  	v3 =	vperm.xlane v3, v2;
	v4 =	vadd.s32 v1, v4;
	_ =	sdelay $0x1  }
0x70: {  	v3 =	vadd.s32 v1, v3;
	_ =	sdelay $0x2  }
0x71: {  	[tilespmem:s11], [sflag:$0x1] =	stream.indirect_vreg.gather [hbm4b:s3+s2], $0x80, v4, vm0, $0xb8;
	[tilespmem:$0x14180] =	vst v63  }
0x72: {  	_ = 	snop  }
0x73: {  	[tilespmem:s12], [sflag:$0x1] =	stream.indirect_vreg.gather [hbm4b:s3+s2], $0x80, v3, vm0, $0xb8;
	[tilespmem:$0x14180] =	vst v63  }
0x74: {  	v3 =	vld [tilespmem:$0x90];
	_ =	sdelay $0x4  }
0x75: {  	v33 =	vshll.u32 v3, $0x1  }
0x76: {  	v3 =	vand.u32 $0x7, v3;
	v4 =	vand.u32 $0xFFFFFFF0, v33  }
0x77: {  	v3 =	vor.u32 v3, v4  }
0x78: {  	v4 =	vperm.xlane v3, v0;
	_ =	sdelay $0x1  }
0x79: {  	v3 =	vperm.xlane v3, v2;
	v4 =	vadd.s32 v1, v4;
	_ =	sdelay $0x1  }
0x7a: {  	v3 =	vadd.s32 v1, v3;
	_ =	sdelay $0x2  }
0x7b: {  	[tilespmem:s13], [sflag:$0x1] =	stream.indirect_vreg.gather [hbm4b:s3+s2], $0x80, v4, vm0, $0xb8;
	[tilespmem:$0x14180] =	vst v63  }
0x7c: {  	_ = 	snop  }
0x7d: {  	[tilespmem:s14], [sflag:$0x1] =	stream.indirect_vreg.gather [hbm4b:s3+s2], $0x80, v3, vm0, $0xb8;
	[tilespmem:$0x14180] =	vst v63  }
0x7e: {  	v3 =	vld [tilespmem:$0xA0];
	_ =	sdelay $0x4  }
0x7f: {  	v34 =	vshll.u32 v3, $0x1  }
0x80: {  	v3 =	vand.u32 $0x7, v3;
	v4 =	vand.u32 $0xFFFFFFF0, v34  }
0x81: {  	v3 =	vor.u32 v3, v4  }
0x82: {  	v4 =	vperm.xlane v3, v0;
	_ =	sdelay $0x1  }
0x83: {  	v3 =	vperm.xlane v3, v2;
	v4 =	vadd.s32 v1, v4;
	_ =	sdelay $0x1  }
0x84: {  	v3 =	vadd.s32 v1, v3;
	_ =	sdelay $0x2  }
0x85: {  	[tilespmem:s15], [sflag:$0x1] =	stream.indirect_vreg.gather [hbm4b:s3+s2], $0x80, v4, vm0, $0xb8;
	[tilespmem:$0x14180] =	vst v63  }
0x86: {  	_ = 	snop  }
0x87: {  	[tilespmem:s16], [sflag:$0x1] =	stream.indirect_vreg.gather [hbm4b:s3+s2], $0x80, v3, vm0, $0xb8;
	[tilespmem:$0x14180] =	vst v63  }
0x88: {  	v3 =	vld [tilespmem:$0xB0];
	_ =	sdelay $0x4  }
0x89: {  	v35 =	vshll.u32 v3, $0x1  }
0x8a: {  	v3 =	vand.u32 $0x7, v3;
	v4 =	vand.u32 $0xFFFFFFF0, v35  }
0x8b: {  	v3 =	vor.u32 v3, v4  }
0x8c: {  	v4 =	vperm.xlane v3, v0;
	_ =	sdelay $0x1  }
0x8d: {  	v3 =	vperm.xlane v3, v2;
	v4 =	vadd.s32 v1, v4;
	_ =	sdelay $0x1  }
0x8e: {  	v3 =	vadd.s32 v1, v3;
	_ =	sdelay $0x2  }
0x8f: {  	[tilespmem:s17], [sflag:$0x1] =	stream.indirect_vreg.gather [hbm4b:s3+s2], $0x80, v4, vm0, $0xb8;
	[tilespmem:$0x14180] =	vst v63  }
0x90: {  	_ = 	snop  }
0x91: {  	[tilespmem:s18], [sflag:$0x1] =	stream.indirect_vreg.gather [hbm4b:s3+s2], $0x80, v3, vm0, $0xb8;
	[tilespmem:$0x14180] =	vst v63  }
0x92: {  	v3 =	vld [tilespmem:$0xC0];
	_ =	sdelay $0x4  }
0x93: {  	v36 =	vshll.u32 v3, $0x1  }
0x94: {  	v3 =	vand.u32 $0x7, v3;
	v4 =	vand.u32 $0xFFFFFFF0, v36  }
0x95: {  	v3 =	vor.u32 v3, v4  }
0x96: {  	v4 =	vperm.xlane v3, v0;
	_ =	sdelay $0x1  }
0x97: {  	v3 =	vperm.xlane v3, v2;
	v4 =	vadd.s32 v1, v4;
	_ =	sdelay $0x1  }
0x98: {  	v3 =	vadd.s32 v1, v3;
	_ =	sdelay $0x2  }
0x99: {  	[tilespmem:s19], [sflag:$0x1] =	stream.indirect_vreg.gather [hbm4b:s3+s2], $0x80, v4, vm0, $0xb8;
	[tilespmem:$0x14180] =	vst v63  }
0x9a: {  	_ = 	snop  }
0x9b: {  	[tilespmem:s6], [sflag:$0x1] =	stream.indirect_vreg.gather [hbm4b:s3+s2], $0x80, v3, vm0, $0xb8;
	[tilespmem:$0x14180] =	vst v63  }
0x9c: {  	v3 =	vld [tilespmem:$0xD0];
	_ =	sdelay $0x4  }
0x9d: {  	v37 =	vshll.u32 v3, $0x1  }
0x9e: {  	v3 =	vand.u32 $0x7, v3;
	v4 =	vand.u32 $0xFFFFFFF0, v37  }
0x9f: {  	v3 =	vor.u32 v3, v4  }
0xa0: {  	v4 =	vperm.xlane v3, v0;
	_ =	sdelay $0x1  }
0xa1: {  	v3 =	vperm.xlane v3, v2;
	v4 =	vadd.s32 v1, v4;
	_ =	sdelay $0x1  }
0xa2: {  	v3 =	vadd.s32 v1, v3;
	_ =	sdelay $0x1  }
0xa3: {  	s21 =	simm.s32 $0xD180  }
0xa4: {  	[tilespmem:s21], [sflag:$0x1] =	stream.indirect_vreg.gather [hbm4b:s3+s2], $0x80, v4, vm0, $0xb8;
	[tilespmem:$0x14180] =	vst v63  }
0xa5: {  	s21 =	simm.s32 $0xD980  }
0xa6: {  	[tilespmem:s21], [sflag:$0x1] =	stream.indirect_vreg.gather [hbm4b:s3+s2], $0x80, v3, vm0, $0xb8;
	[tilespmem:$0x14180] =	vst v63  }
0xa7: {  	v3 =	vld [tilespmem:$0xE0];
	_ =	sdelay $0x4  }
0xa8: {  	v38 =	vshll.u32 v3, $0x1  }
0xa9: {  	v3 =	vand.u32 $0x7, v3;
	v4 =	vand.u32 $0xFFFFFFF0, v38  }
0xaa: {  	v3 =	vor.u32 v3, v4  }
0xab: {  	v4 =	vperm.xlane v3, v0;
	_ =	sdelay $0x1  }
0xac: {  	v3 =	vperm.xlane v3, v2;
	v4 =	vadd.s32 v1, v4;
	_ =	sdelay $0x1  }
0xad: {  	v3 =	vadd.s32 v1, v3;
	_ =	sdelay $0x1  }
0xae: {  	s21 =	simm.s32 $0xE180  }
0xaf: {  	[tilespmem:s21], [sflag:$0x1] =	stream.indirect_vreg.gather [hbm4b:s3+s2], $0x80, v4, vm0, $0xb8;
	[tilespmem:$0x14180] =	vst v63  }
0xb0: {  	s21 =	simm.s32 $0xE980  }
0xb1: {  	[tilespmem:s21], [sflag:$0x1] =	stream.indirect_vreg.gather [hbm4b:s3+s2], $0x80, v3, vm0, $0xb8;
	[tilespmem:$0x14180] =	vst v63  }
0xb2: {  	v3 =	vld [tilespmem:$0xF0];
	_ =	sdelay $0x4  }
0xb3: {  	v39 =	vshll.u32 v3, $0x1  }
0xb4: {  	v3 =	vand.u32 $0x7, v3;
	v4 =	vand.u32 $0xFFFFFFF0, v39  }
0xb5: {  	v3 =	vor.u32 v3, v4  }
0xb6: {  	v4 =	vperm.xlane v3, v0;
	_ =	sdelay $0x1  }
0xb7: {  	v3 =	vperm.xlane v3, v2;
	v4 =	vadd.s32 v1, v4;
	_ =	sdelay $0x1  }
0xb8: {  	v3 =	vadd.s32 v1, v3;
	_ =	sdelay $0x1  }
0xb9: {  	s21 =	simm.s32 $0xF180  }
0xba: {  	[tilespmem:s21], [sflag:$0x1] =	stream.indirect_vreg.gather [hbm4b:s3+s2], $0x80, v4, vm0, $0xb8;
	[tilespmem:$0x14180] =	vst v63  }
0xbb: {  	s21 =	simm.s32 $0xF980  }
0xbc: {  	[tilespmem:s21], [sflag:$0x1] =	stream.indirect_vreg.gather [hbm4b:s3+s2], $0x80, v3, vm0, $0xb8;
	[tilespmem:$0x14180] =	vst v63  }
0xbd: {  	v3 =	vld [tilespmem:$0x100];
	_ =	sdelay $0x4  }
0xbe: {  	v40 =	vshll.u32 v3, $0x1  }
0xbf: {  	v3 =	vand.u32 $0x7, v3;
	v4 =	vand.u32 $0xFFFFFFF0, v40  }
0xc0: {  	v3 =	vor.u32 v3, v4  }
0xc1: {  	v4 =	vperm.xlane v3, v0;
	_ =	sdelay $0x1  }
0xc2: {  	v3 =	vperm.xlane v3, v2;
	v4 =	vadd.s32 v1, v4;
	_ =	sdelay $0x1  }
0xc3: {  	v3 =	vadd.s32 v1, v3;
	_ =	sdelay $0x1  }
0xc4: {  	s21 =	simm.s32 $0x10180  }
0xc5: {  	[tilespmem:s21], [sflag:$0x1] =	stream.indirect_vreg.gather [hbm4b:s3+s2], $0x80, v4, vm0, $0xb8;
	[tilespmem:$0x14180] =	vst v63  }
0xc6: {  	s21 =	simm.s32 $0x10980  }
0xc7: {  	[tilespmem:s21], [sflag:$0x1] =	stream.indirect_vreg.gather [hbm4b:s3+s2], $0x80, v3, vm0, $0xb8;
	[tilespmem:$0x14180] =	vst v63  }
0xc8: {  	v3 =	vld [tilespmem:$0x110];
	_ =	sdelay $0x4  }
0xc9: {  	v41 =	vshll.u32 v3, $0x1  }
0xca: {  	v3 =	vand.u32 $0x7, v3;
	v4 =	vand.u32 $0xFFFFFFF0, v41  }
0xcb: {  	v3 =	vor.u32 v3, v4  }
0xcc: {  	v4 =	vperm.xlane v3, v0;
	_ =	sdelay $0x1  }
0xcd: {  	v3 =	vperm.xlane v3, v2;
	v4 =	vadd.s32 v1, v4;
	_ =	sdelay $0x1  }
0xce: {  	v3 =	vadd.s32 v1, v3;
	_ =	sdelay $0x1  }
0xcf: {  	s21 =	simm.s32 $0x11180  }
0xd0: {  	[tilespmem:s21], [sflag:$0x1] =	stream.indirect_vreg.gather [hbm4b:s3+s2], $0x80, v4, vm0, $0xb8;
	[tilespmem:$0x14180] =	vst v63  }
0xd1: {  	s21 =	simm.s32 $0x11980  }
0xd2: {  	[tilespmem:s21], [sflag:$0x1] =	stream.indirect_vreg.gather [hbm4b:s3+s2], $0x80, v3, vm0, $0xb8;
	[tilespmem:$0x14180] =	vst v63  }
0xd3: {  	v3 =	vld [tilespmem:$0x120];
	_ =	sdelay $0x4  }
0xd4: {  	v42 =	vshll.u32 v3, $0x1  }
0xd5: {  	v3 =	vand.u32 $0x7, v3;
	v4 =	vand.u32 $0xFFFFFFF0, v42  }
0xd6: {  	v3 =	vor.u32 v3, v4  }
0xd7: {  	v4 =	vperm.xlane v3, v0;
	_ =	sdelay $0x1  }
0xd8: {  	v3 =	vperm.xlane v3, v2;
	v4 =	vadd.s32 v1, v4;
	_ =	sdelay $0x1  }
0xd9: {  	v3 =	vadd.s32 v1, v3;
	_ =	sdelay $0x1  }
0xda: {  	s21 =	simm.s32 $0x12180  }
0xdb: {  	[tilespmem:s21], [sflag:$0x1] =	stream.indirect_vreg.gather [hbm4b:s3+s2], $0x80, v4, vm0, $0xb8;
	[tilespmem:$0x14180] =	vst v63  }
0xdc: {  	s21 =	simm.s32 $0x12980  }
0xdd: {  	[tilespmem:s21], [sflag:$0x1] =	stream.indirect_vreg.gather [hbm4b:s3+s2], $0x80, v3, vm0, $0xb8;
	[tilespmem:$0x14180] =	vst v63  }
0xde: {  	v3 =	vld [tilespmem:$0x130];
	_ =	sdelay $0x4  }
0xdf: {  	v43 =	vshll.u32 v3, $0x1  }
0xe0: {  	v3 =	vand.u32 $0x7, v3;
	v4 =	vand.u32 $0xFFFFFFF0, v43  }
0xe1: {  	v3 =	vor.u32 v3, v4  }
0xe2: {  	v4 =	vperm.xlane v3, v0;
	_ =	sdelay $0x1  }
0xe3: {  	v3 =	vperm.xlane v3, v2;
	v4 =	vadd.s32 v1, v4;
	_ =	sdelay $0x1  }
0xe4: {  	v3 =	vadd.s32 v1, v3;
	_ =	sdelay $0x1  }
0xe5: {  	s21 =	simm.s32 $0x13180  }
0xe6: {  	[tilespmem:s21], [sflag:$0x1] =	stream.indirect_vreg.gather [hbm4b:s3+s2], $0x80, v4, vm0, $0xb8;
	[tilespmem:$0x14180] =	vst v63  }
0xe7: {  	s21 =	simm.s32 $0x13980  }
0xe8: {  	[tilespmem:s21], [sflag:$0x1] =	stream.indirect_vreg.gather [hbm4b:s3+s2], $0x80, v3, vm0, $0xb8;
	[tilespmem:$0x14180] =	vst v63  }
0xe9: {  	_ =	swait.ge [sflag:s20], $0x14000  }
0xea: {  	[sflag:s20] =	ssyncset.done $0x0  }
0xeb: {  	s0 =	simm.s32 $0x180;
	s21 =	rddreg [dreg:$0x4];
	[sflag:s20] =	ssyncadd.s32 $0xFFFEC000  }
0xec: {  	[hbm4b:s21+s2] =	stream.linear.scatter [tilespmem:s0], [sflag:$0x2], $0x14000, $0x38;
	[tilespmem:$0x14180] =	vst v63  }
0xed: {  	_ =	swait.ge [sflag:s5], $0x14000  }
0xee: {  	[sflag:s5] =	ssyncset.done $0x0  }
0xef: {  	s21 =	rddreg [dreg:$0x5];
	[sflag:s5] =	ssyncadd.s32 $0xFFFEC000  }
0xf0: {  	[tilespmem:s2], [sflag:$0x2] =	stream.linear.gather [hbm4b:s21+s2], $0x140, $0x38;
	[tilespmem:$0x14180] =	vst v63  }
0xf1: {  	_ =	swait.ge [sflag:s5], $0x140  }
0xf2: {  	[sflag:s5] =	ssyncset.done $0x0  }
0xf3: {  	[sflag:s5] =	ssyncadd.s32 $0xFFFFFEC0  }
0xf4: {  	v3 =	vld [tilespmem:$0x0];
	_ =	sdelay $0x4  }
0xf5: {  	v44 =	vshll.u32 v3, $0x1  }
0xf6: {  	v3 =	vand.u32 $0x7, v3;
	v4 =	vand.u32 $0xFFFFFFF0, v44  }
0xf7: {  	v3 =	vor.u32 v3, v4  }
0xf8: {  	v4 =	vperm.xlane v3, v0;
	_ =	sdelay $0x1  }
0xf9: {  	v3 =	vperm.xlane v3, v2;
	v4 =	vadd.s32 v1, v4;
	_ =	sdelay $0x1  }
0xfa: {  	v3 =	vadd.s32 v1, v3;
	_ =	sdelay $0x2  }
0xfb: {  	[tilespmem:s0], [sflag:$0x1] =	stream.indirect_vreg.gather [hbm4b:s3+s2], $0x80, v4, vm0, $0xb8;
	[tilespmem:$0x14180] =	vst v63  }
0xfc: {  	_ = 	snop  }
0xfd: {  	[tilespmem:s22], [sflag:$0x1] =	stream.indirect_vreg.gather [hbm4b:s3+s2], $0x80, v3, vm0, $0xb8;
	[tilespmem:$0x14180] =	vst v63  }
0xfe: {  	v3 =	vld [tilespmem:$0x10];
	_ =	sdelay $0x4  }
0xff: {  	v45 =	vshll.u32 v3, $0x1  }
0x100: {  	v3 =	vand.u32 $0x7, v3;
	v4 =	vand.u32 $0xFFFFFFF0, v45  }
0x101: {  	v3 =	vor.u32 v3, v4  }
0x102: {  	v4 =	vperm.xlane v3, v0;
	_ =	sdelay $0x1  }
0x103: {  	v3 =	vperm.xlane v3, v2;
	v4 =	vadd.s32 v1, v4;
	_ =	sdelay $0x1  }
0x104: {  	v3 =	vadd.s32 v1, v3;
	_ =	sdelay $0x2  }
0x105: {  	[tilespmem:s23], [sflag:$0x1] =	stream.indirect_vreg.gather [hbm4b:s3+s2], $0x80, v4, vm0, $0xb8;
	[tilespmem:$0x14180] =	vst v63  }
0x106: {  	_ = 	snop  }
0x107: {  	[tilespmem:s24], [sflag:$0x1] =	stream.indirect_vreg.gather [hbm4b:s3+s2], $0x80, v3, vm0, $0xb8;
	[tilespmem:$0x14180] =	vst v63  }
0x108: {  	v3 =	vld [tilespmem:$0x20];
	_ =	sdelay $0x4  }
0x109: {  	v46 =	vshll.u32 v3, $0x1  }
0x10a: {  	v3 =	vand.u32 $0x7, v3;
	v4 =	vand.u32 $0xFFFFFFF0, v46  }
0x10b: {  	v3 =	vor.u32 v3, v4  }
0x10c: {  	v4 =	vperm.xlane v3, v0;
	_ =	sdelay $0x1  }
0x10d: {  	v3 =	vperm.xlane v3, v2;
	v4 =	vadd.s32 v1, v4;
	_ =	sdelay $0x1  }
0x10e: {  	v3 =	vadd.s32 v1, v3;
	_ =	sdelay $0x2  }
0x10f: {  	[tilespmem:s25], [sflag:$0x1] =	stream.indirect_vreg.gather [hbm4b:s3+s2], $0x80, v4, vm0, $0xb8;
	[tilespmem:$0x14180] =	vst v63  }
0x110: {  	_ = 	snop  }
0x111: {  	[tilespmem:s26], [sflag:$0x1] =	stream.indirect_vreg.gather [hbm4b:s3+s2], $0x80, v3, vm0, $0xb8;
	[tilespmem:$0x14180] =	vst v63  }
0x112: {  	v3 =	vld [tilespmem:$0x30];
	_ =	sdelay $0x4  }
0x113: {  	v47 =	vshll.u32 v3, $0x1  }
0x114: {  	v3 =	vand.u32 $0x7, v3;
	v4 =	vand.u32 $0xFFFFFFF0, v47  }
0x115: {  	v3 =	vor.u32 v3, v4  }
0x116: {  	v4 =	vperm.xlane v3, v0;
	_ =	sdelay $0x1  }
0x117: {  	v3 =	vperm.xlane v3, v2;
	v4 =	vadd.s32 v1, v4;
	_ =	sdelay $0x1  }
0x118: {  	v3 =	vadd.s32 v1, v3;
	_ =	sdelay $0x2  }
0x119: {  	[tilespmem:s28], [sflag:$0x1] =	stream.indirect_vreg.gather [hbm4b:s3+s2], $0x80, v4, vm0, $0xb8;
	[tilespmem:$0x14180] =	vst v63  }
0x11a: {  	_ = 	snop  }
0x11b: {  	[tilespmem:s29], [sflag:$0x1] =	stream.indirect_vreg.gather [hbm4b:s3+s2], $0x80, v3, vm0, $0xb8;
	[tilespmem:$0x14180] =	vst v63  }
0x11c: {  	v3 =	vld [tilespmem:$0x40];
	_ =	sdelay $0x4  }
0x11d: {  	v48 =	vshll.u32 v3, $0x1  }
0x11e: {  	v3 =	vand.u32 $0x7, v3;
	v4 =	vand.u32 $0xFFFFFFF0, v48  }
0x11f: {  	v3 =	vor.u32 v3, v4  }
0x120: {  	v4 =	vperm.xlane v3, v0;
	_ =	sdelay $0x1  }
0x121: {  	v3 =	vperm.xlane v3, v2;
	v4 =	vadd.s32 v1, v4;
	_ =	sdelay $0x1  }
0x122: {  	v3 =	vadd.s32 v1, v3;
	_ =	sdelay $0x2  }
0x123: {  	[tilespmem:s30], [sflag:$0x1] =	stream.indirect_vreg.gather [hbm4b:s3+s2], $0x80, v4, vm0, $0xb8;
	[tilespmem:$0x14180] =	vst v63  }
0x124: {  	_ = 	snop  }
0x125: {  	[tilespmem:s31], [sflag:$0x1] =	stream.indirect_vreg.gather [hbm4b:s3+s2], $0x80, v3, vm0, $0xb8;
	[tilespmem:$0x14180] =	vst v63  }
0x126: {  	v3 =	vld [tilespmem:$0x50];
	_ =	sdelay $0x4  }
0x127: {  	v49 =	vshll.u32 v3, $0x1  }
0x128: {  	v3 =	vand.u32 $0x7, v3;
	v4 =	vand.u32 $0xFFFFFFF0, v49  }
0x129: {  	v3 =	vor.u32 v3, v4  }
0x12a: {  	v4 =	vperm.xlane v3, v0;
	_ =	sdelay $0x1  }
0x12b: {  	v3 =	vperm.xlane v3, v2;
	v4 =	vadd.s32 v1, v4;
	_ =	sdelay $0x1  }
0x12c: {  	v3 =	vadd.s32 v1, v3;
	_ =	sdelay $0x2  }
0x12d: {  	[tilespmem:s1], [sflag:$0x1] =	stream.indirect_vreg.gather [hbm4b:s3+s2], $0x80, v4, vm0, $0xb8;
	[tilespmem:$0x14180] =	vst v63  }
0x12e: {  	s21 =	simm.s32 $0x5980  }
0x12f: {  	[tilespmem:s21], [sflag:$0x1] =	stream.indirect_vreg.gather [hbm4b:s3+s2], $0x80, v3, vm0, $0xb8;
	[tilespmem:$0x14180] =	vst v63  }
0x130: {  	v3 =	vld [tilespmem:$0x60];
	_ =	sdelay $0x4  }
0x131: {  	v50 =	vshll.u32 v3, $0x1  }
0x132: {  	v3 =	vand.u32 $0x7, v3;
	v4 =	vand.u32 $0xFFFFFFF0, v50  }
0x133: {  	v3 =	vor.u32 v3, v4  }
0x134: {  	v4 =	vperm.xlane v3, v0;
	_ =	sdelay $0x1  }
0x135: {  	v3 =	vperm.xlane v3, v2;
	v4 =	vadd.s32 v1, v4;
	_ =	sdelay $0x1  }
0x136: {  	v3 =	vadd.s32 v1, v3;
	_ =	sdelay $0x2  }
0x137: {  	[tilespmem:s7], [sflag:$0x1] =	stream.indirect_vreg.gather [hbm4b:s3+s2], $0x80, v4, vm0, $0xb8;
	[tilespmem:$0x14180] =	vst v63  }
0x138: {  	_ = 	snop  }
0x139: {  	[tilespmem:s8], [sflag:$0x1] =	stream.indirect_vreg.gather [hbm4b:s3+s2], $0x80, v3, vm0, $0xb8;
	[tilespmem:$0x14180] =	vst v63  }
0x13a: {  	v3 =	vld [tilespmem:$0x70];
	_ =	sdelay $0x4  }
0x13b: {  	v51 =	vshll.u32 v3, $0x1  }
0x13c: {  	v3 =	vand.u32 $0x7, v3;
	v4 =	vand.u32 $0xFFFFFFF0, v51  }
0x13d: {  	v3 =	vor.u32 v3, v4  }
0x13e: {  	v4 =	vperm.xlane v3, v0;
	_ =	sdelay $0x1  }
0x13f: {  	v3 =	vperm.xlane v3, v2;
	v4 =	vadd.s32 v1, v4;
	_ =	sdelay $0x1  }
0x140: {  	v3 =	vadd.s32 v1, v3;
	_ =	sdelay $0x2  }
0x141: {  	[tilespmem:s9], [sflag:$0x1] =	stream.indirect_vreg.gather [hbm4b:s3+s2], $0x80, v4, vm0, $0xb8;
	[tilespmem:$0x14180] =	vst v63  }
0x142: {  	_ = 	snop  }
0x143: {  	[tilespmem:s10], [sflag:$0x1] =	stream.indirect_vreg.gather [hbm4b:s3+s2], $0x80, v3, vm0, $0xb8;
	[tilespmem:$0x14180] =	vst v63  }
0x144: {  	v3 =	vld [tilespmem:$0x80];
	_ =	sdelay $0x4  }
0x145: {  	v52 =	vshll.u32 v3, $0x1  }
0x146: {  	v3 =	vand.u32 $0x7, v3;
	v4 =	vand.u32 $0xFFFFFFF0, v52  }
0x147: {  	v3 =	vor.u32 v3, v4  }
0x148: {  	v4 =	vperm.xlane v3, v0;
	_ =	sdelay $0x1  }
0x149: {  	v3 =	vperm.xlane v3, v2;
	v4 =	vadd.s32 v1, v4;
	_ =	sdelay $0x1  }
0x14a: {  	v3 =	vadd.s32 v1, v3;
	_ =	sdelay $0x2  }
0x14b: {  	[tilespmem:s11], [sflag:$0x1] =	stream.indirect_vreg.gather [hbm4b:s3+s2], $0x80, v4, vm0, $0xb8;
	[tilespmem:$0x14180] =	vst v63  }
0x14c: {  	_ = 	snop  }
0x14d: {  	[tilespmem:s12], [sflag:$0x1] =	stream.indirect_vreg.gather [hbm4b:s3+s2], $0x80, v3, vm0, $0xb8;
	[tilespmem:$0x14180] =	vst v63  }
0x14e: {  	v3 =	vld [tilespmem:$0x90];
	_ =	sdelay $0x4  }
0x14f: {  	v53 =	vshll.u32 v3, $0x1  }
0x150: {  	v3 =	vand.u32 $0x7, v3;
	v4 =	vand.u32 $0xFFFFFFF0, v53  }
0x151: {  	v3 =	vor.u32 v3, v4  }
0x152: {  	v4 =	vperm.xlane v3, v0;
	_ =	sdelay $0x1  }
0x153: {  	v3 =	vperm.xlane v3, v2;
	v4 =	vadd.s32 v1, v4;
	_ =	sdelay $0x1  }
0x154: {  	v3 =	vadd.s32 v1, v3;
	_ =	sdelay $0x2  }
0x155: {  	[tilespmem:s13], [sflag:$0x1] =	stream.indirect_vreg.gather [hbm4b:s3+s2], $0x80, v4, vm0, $0xb8;
	[tilespmem:$0x14180] =	vst v63  }
0x156: {  	_ = 	snop  }
0x157: {  	[tilespmem:s14], [sflag:$0x1] =	stream.indirect_vreg.gather [hbm4b:s3+s2], $0x80, v3, vm0, $0xb8;
	[tilespmem:$0x14180] =	vst v63  }
0x158: {  	v3 =	vld [tilespmem:$0xA0];
	_ =	sdelay $0x4  }
0x159: {  	v54 =	vshll.u32 v3, $0x1  }
0x15a: {  	v3 =	vand.u32 $0x7, v3;
	v4 =	vand.u32 $0xFFFFFFF0, v54  }
0x15b: {  	v3 =	vor.u32 v3, v4  }
0x15c: {  	v4 =	vperm.xlane v3, v0;
	_ =	sdelay $0x1  }
0x15d: {  	v3 =	vperm.xlane v3, v2;
	v4 =	vadd.s32 v1, v4;
	_ =	sdelay $0x1  }
0x15e: {  	v3 =	vadd.s32 v1, v3;
	_ =	sdelay $0x2  }
0x15f: {  	[tilespmem:s15], [sflag:$0x1] =	stream.indirect_vreg.gather [hbm4b:s3+s2], $0x80, v4, vm0, $0xb8;
	[tilespmem:$0x14180] =	vst v63  }
0x160: {  	_ = 	snop  }
0x161: {  	[tilespmem:s16], [sflag:$0x1] =	stream.indirect_vreg.gather [hbm4b:s3+s2], $0x80, v3, vm0, $0xb8;
	[tilespmem:$0x14180] =	vst v63  }
0x162: {  	v3 =	vld [tilespmem:$0xB0];
	_ =	sdelay $0x4  }
0x163: {  	v55 =	vshll.u32 v3, $0x1  }
0x164: {  	v3 =	vand.u32 $0x7, v3;
	v4 =	vand.u32 $0xFFFFFFF0, v55  }
0x165: {  	v3 =	vor.u32 v3, v4  }
0x166: {  	v4 =	vperm.xlane v3, v0;
	_ =	sdelay $0x1  }
0x167: {  	v3 =	vperm.xlane v3, v2;
	v4 =	vadd.s32 v1, v4;
	_ =	sdelay $0x1  }
0x168: {  	v3 =	vadd.s32 v1, v3;
	_ =	sdelay $0x2  }
0x169: {  	[tilespmem:s17], [sflag:$0x1] =	stream.indirect_vreg.gather [hbm4b:s3+s2], $0x80, v4, vm0, $0xb8;
	[tilespmem:$0x14180] =	vst v63  }
0x16a: {  	_ = 	snop  }
0x16b: {  	[tilespmem:s18], [sflag:$0x1] =	stream.indirect_vreg.gather [hbm4b:s3+s2], $0x80, v3, vm0, $0xb8;
	[tilespmem:$0x14180] =	vst v63  }
0x16c: {  	v3 =	vld [tilespmem:$0xC0];
	_ =	sdelay $0x4  }
0x16d: {  	v56 =	vshll.u32 v3, $0x1  }
0x16e: {  	v3 =	vand.u32 $0x7, v3;
	v4 =	vand.u32 $0xFFFFFFF0, v56  }
0x16f: {  	v3 =	vor.u32 v3, v4  }
0x170: {  	v4 =	vperm.xlane v3, v0;
	_ =	sdelay $0x1  }
0x171: {  	v3 =	vperm.xlane v3, v2;
	v4 =	vadd.s32 v1, v4;
	_ =	sdelay $0x1  }
0x172: {  	v3 =	vadd.s32 v1, v3;
	_ =	sdelay $0x2  }
0x173: {  	[tilespmem:s19], [sflag:$0x1] =	stream.indirect_vreg.gather [hbm4b:s3+s2], $0x80, v4, vm0, $0xb8;
	[tilespmem:$0x14180] =	vst v63  }
0x174: {  	_ = 	snop  }
0x175: {  	[tilespmem:s6], [sflag:$0x1] =	stream.indirect_vreg.gather [hbm4b:s3+s2], $0x80, v3, vm0, $0xb8;
	[tilespmem:$0x14180] =	vst v63  }
0x176: {  	v3 =	vld [tilespmem:$0xD0];
	_ =	sdelay $0x4  }
0x177: {  	v57 =	vshll.u32 v3, $0x1  }
0x178: {  	v3 =	vand.u32 $0x7, v3;
	v4 =	vand.u32 $0xFFFFFFF0, v57  }
0x179: {  	v3 =	vor.u32 v3, v4  }
0x17a: {  	v4 =	vperm.xlane v3, v0;
	_ =	sdelay $0x1  }
0x17b: {  	v3 =	vperm.xlane v3, v2;
	v4 =	vadd.s32 v1, v4;
	_ =	sdelay $0x1  }
0x17c: {  	v3 =	vadd.s32 v1, v3;
	_ =	sdelay $0x1  }
0x17d: {  	s21 =	simm.s32 $0xD180  }
0x17e: {  	[tilespmem:s21], [sflag:$0x1] =	stream.indirect_vreg.gather [hbm4b:s3+s2], $0x80, v4, vm0, $0xb8;
	[tilespmem:$0x14180] =	vst v63  }
0x17f: {  	s21 =	simm.s32 $0xD980  }
0x180: {  	[tilespmem:s21], [sflag:$0x1] =	stream.indirect_vreg.gather [hbm4b:s3+s2], $0x80, v3, vm0, $0xb8;
	[tilespmem:$0x14180] =	vst v63  }
0x181: {  	v3 =	vld [tilespmem:$0xE0];
	_ =	sdelay $0x4  }
0x182: {  	v58 =	vshll.u32 v3, $0x1  }
0x183: {  	v3 =	vand.u32 $0x7, v3;
	v4 =	vand.u32 $0xFFFFFFF0, v58  }
0x184: {  	v3 =	vor.u32 v3, v4  }
0x185: {  	v4 =	vperm.xlane v3, v0;
	_ =	sdelay $0x1  }
0x186: {  	v3 =	vperm.xlane v3, v2;
	v4 =	vadd.s32 v1, v4;
	_ =	sdelay $0x1  }
0x187: {  	v3 =	vadd.s32 v1, v3;
	_ =	sdelay $0x1  }
0x188: {  	s21 =	simm.s32 $0xE180  }
0x189: {  	[tilespmem:s21], [sflag:$0x1] =	stream.indirect_vreg.gather [hbm4b:s3+s2], $0x80, v4, vm0, $0xb8;
	[tilespmem:$0x14180] =	vst v63  }
0x18a: {  	s21 =	simm.s32 $0xE980  }
0x18b: {  	[tilespmem:s21], [sflag:$0x1] =	stream.indirect_vreg.gather [hbm4b:s3+s2], $0x80, v3, vm0, $0xb8;
	[tilespmem:$0x14180] =	vst v63  }
0x18c: {  	v3 =	vld [tilespmem:$0xF0];
	_ =	sdelay $0x4  }
0x18d: {  	v59 =	vshll.u32 v3, $0x1  }
0x18e: {  	v3 =	vand.u32 $0x7, v3;
	v4 =	vand.u32 $0xFFFFFFF0, v59  }
0x18f: {  	v3 =	vor.u32 v3, v4  }
0x190: {  	v4 =	vperm.xlane v3, v0;
	_ =	sdelay $0x1  }
0x191: {  	v3 =	vperm.xlane v3, v2;
	v4 =	vadd.s32 v1, v4;
	_ =	sdelay $0x1  }
0x192: {  	v3 =	vadd.s32 v1, v3;
	_ =	sdelay $0x1  }
0x193: {  	s21 =	simm.s32 $0xF180  }
0x194: {  	[tilespmem:s21], [sflag:$0x1] =	stream.indirect_vreg.gather [hbm4b:s3+s2], $0x80, v4, vm0, $0xb8;
	[tilespmem:$0x14180] =	vst v63  }
0x195: {  	s21 =	simm.s32 $0xF980  }
0x196: {  	[tilespmem:s21], [sflag:$0x1] =	stream.indirect_vreg.gather [hbm4b:s3+s2], $0x80, v3, vm0, $0xb8;
	[tilespmem:$0x14180] =	vst v63  }
0x197: {  	v3 =	vld [tilespmem:$0x100];
	_ =	sdelay $0x4  }
0x198: {  	v60 =	vshll.u32 v3, $0x1  }
0x199: {  	v3 =	vand.u32 $0x7, v3;
	v4 =	vand.u32 $0xFFFFFFF0, v60  }
0x19a: {  	v3 =	vor.u32 v3, v4  }
0x19b: {  	v4 =	vperm.xlane v3, v0;
	_ =	sdelay $0x1  }
0x19c: {  	v3 =	vperm.xlane v3, v2;
	v4 =	vadd.s32 v1, v4;
	_ =	sdelay $0x1  }
0x19d: {  	v3 =	vadd.s32 v1, v3;
	_ =	sdelay $0x1  }
0x19e: {  	s21 =	simm.s32 $0x10180  }
0x19f: {  	[tilespmem:s21], [sflag:$0x1] =	stream.indirect_vreg.gather [hbm4b:s3+s2], $0x80, v4, vm0, $0xb8;
	[tilespmem:$0x14180] =	vst v63  }
0x1a0: {  	s21 =	simm.s32 $0x10980  }
0x1a1: {  	[tilespmem:s21], [sflag:$0x1] =	stream.indirect_vreg.gather [hbm4b:s3+s2], $0x80, v3, vm0, $0xb8;
	[tilespmem:$0x14180] =	vst v63  }
0x1a2: {  	v3 =	vld [tilespmem:$0x110];
	_ =	sdelay $0x4  }
0x1a3: {  	v61 =	vshll.u32 v3, $0x1  }
0x1a4: {  	v3 =	vand.u32 $0x7, v3;
	v4 =	vand.u32 $0xFFFFFFF0, v61  }
0x1a5: {  	v3 =	vor.u32 v3, v4  }
0x1a6: {  	v4 =	vperm.xlane v3, v0;
	_ =	sdelay $0x1  }
0x1a7: {  	v3 =	vperm.xlane v3, v2;
	v4 =	vadd.s32 v1, v4;
	_ =	sdelay $0x1  }
0x1a8: {  	v3 =	vadd.s32 v1, v3;
	_ =	sdelay $0x1  }
0x1a9: {  	s21 =	simm.s32 $0x11180  }
0x1aa: {  	[tilespmem:s21], [sflag:$0x1] =	stream.indirect_vreg.gather [hbm4b:s3+s2], $0x80, v4, vm0, $0xb8;
	[tilespmem:$0x14180] =	vst v63  }
0x1ab: {  	s21 =	simm.s32 $0x11980  }
0x1ac: {  	[tilespmem:s21], [sflag:$0x1] =	stream.indirect_vreg.gather [hbm4b:s3+s2], $0x80, v3, vm0, $0xb8;
	[tilespmem:$0x14180] =	vst v63  }
0x1ad: {  	v3 =	vld [tilespmem:$0x120];
	_ =	sdelay $0x4  }
0x1ae: {  	v62 =	vshll.u32 v3, $0x1  }
0x1af: {  	v3 =	vand.u32 $0x7, v3;
	v4 =	vand.u32 $0xFFFFFFF0, v62  }
0x1b0: {  	v3 =	vor.u32 v3, v4  }
0x1b1: {  	v4 =	vperm.xlane v3, v0;
	_ =	sdelay $0x1  }
0x1b2: {  	v3 =	vperm.xlane v3, v2;
	v4 =	vadd.s32 v1, v4;
	_ =	sdelay $0x1  }
0x1b3: {  	v3 =	vadd.s32 v1, v3;
	_ =	sdelay $0x1  }
0x1b4: {  	s21 =	simm.s32 $0x12180  }
0x1b5: {  	[tilespmem:s21], [sflag:$0x1] =	stream.indirect_vreg.gather [hbm4b:s3+s2], $0x80, v4, vm0, $0xb8;
	[tilespmem:$0x14180] =	vst v63  }
0x1b6: {  	s21 =	simm.s32 $0x12980  }
0x1b7: {  	[tilespmem:s21], [sflag:$0x1] =	stream.indirect_vreg.gather [hbm4b:s3+s2], $0x80, v3, vm0, $0xb8;
	[tilespmem:$0x14180] =	vst v63  }
0x1b8: {  	v3 =	vld [tilespmem:$0x130];
	_ =	sdelay $0x4  }
0x1b9: {  	v63 =	vshll.u32 v3, $0x1  }
0x1ba: {  	v3 =	vand.u32 $0x7, v3;
	v4 =	vand.u32 $0xFFFFFFF0, v63  }
0x1bb: {  	v3 =	vor.u32 v3, v4  }
0x1bc: {  	v4 =	vperm.xlane v3, v0;
	_ =	sdelay $0x1  }
0x1bd: {  	v3 =	vperm.xlane v3, v2;
	v4 =	vadd.s32 v1, v4;
	_ =	sdelay $0x1  }
0x1be: {  	v3 =	vadd.s32 v1, v3;
	_ =	sdelay $0x1  }
0x1bf: {  	s21 =	simm.s32 $0x13180  }
0x1c0: {  	[tilespmem:s21], [sflag:$0x1] =	stream.indirect_vreg.gather [hbm4b:s3+s2], $0x80, v4, vm0, $0xb8;
	[tilespmem:$0x14180] =	vst v63  }
0x1c1: {  	s21 =	simm.s32 $0x13980  }
0x1c2: {  	[tilespmem:s21], [sflag:$0x1] =	stream.indirect_vreg.gather [hbm4b:s3+s2], $0x80, v3, vm0, $0xb8;
	[tilespmem:$0x14180] =	vst v63  }
0x1c3: {  	_ =	swait.ge [sflag:s20], $0x14000  }
0x1c4: {  	p0 =	sne.s32 s4, $0x1;
	s0 =	simm.s32 $0x180;
	[sflag:s20] =	ssyncset.done $0x0  }
.Ltmp0:
0x1c5: {  	s21 =	rddreg [dreg:$0x6];
	[sflag:s20] =	ssyncadd.s32 $0xFFFEC000;
	(pc) =	sbr.rel @p0 .LBB2_1-.Ltmp0, $4  }
0x1c6: {  	[hbm4b:s21+s2] =	stream.linear.scatter [tilespmem:s0], [sflag:$0x2], $0x14000, $0x38;
	[tilespmem:$0x14180] =	vst v63  }
0x1c7: {  	_ =	swait.ge [sflag:s5], $0x14000  }
0x1c8: {  	[sflag:s5] =	ssyncset.done $0x0  }
0x1c9: {  	s4 =	sadd.s32 $0xFFFFFFFF, s4;
	[sflag:s5] =	ssyncadd.s32 $0xFFFEC000  }
0x1ca: {  	_ =	sfence.sel $0x180000  }
0x1cb: {  	[bflag:$0x0] =	sbarrier.arrive $0xFFFF  }
0x1cc: {  	_ =	strace $0x90000047  }
0x1cd: {  	s0 =	stileid.u32;
	[bflag:$0x2] =	sbarrier.arrive $0xFFFF  }
0x1ce: {  	p0 =	sne.s32 s0, $0x0;
	s0 =	rddreg [dreg:$0x2]  }
0x1cf: {  	s0 =	sadd.s32 @!p0 $0x100000, s0  }
0x1d0: {  	[sflag:s0] =	ssyncadd.tile.s32 @!p0 $0x1;
	_ =	shalt  }
.Lfunc_end2:
_tile_overlayer_lowered:
.L_overlay_start_2:
0x1d1: {  	(tag) =	ssettag $0x2  }
0x1d2: {  	s0 =	rddreg [dreg:$0x0];
	s2 =	stileid.u32  }
0x1d3: {  	s1 =	rddreg [dreg:$0x1];
	p0 =	sne.s32 s2, $0x0  }
0x1d4: {  	s3 =	rddreg [dreg:$0x2];
	[bflag:$0x3] =	sbarrier.arrive $0xFFFF;
	s2 =	simm.s32 @!p0 $0x1C02  }
0x1d5: {  	[timem:s3], [sflag:s2] =	dma.local @!p0 [hbm:s0], s1  }
0x1d6: {  	s0 =	simm.s32 @!p0 $0x2  }
0x1d7: {  	_ =	swait.ge @!p0 [sflag:s0], s1  }
0x1d8: {  	s1 =	ssub.s32 @!p0 $0x0, s1;
	[sflag:s0] =	ssyncset.done @!p0 $0x0  }
0x1d9: {  	[sflag:s0] =	ssyncadd.s32 @!p0 s1  }
0x1da: {  	[bflag:$0x3] =	sbarrier.arrive $0xFFFF  }
0x1db: {  	_ =	shalt  }

</sc_bundles>
